<compile_context>
chip_gen: v7x
topology: tpu7x:2x2x1
jax: 0.10.2.dev20260603
libtpu: 0.0.44.dev20260713+nightly
codegen_flags: <defaults>
</compile_context>

<pallas_src>
import dataclasses
import functools

import jax
import jax.numpy as jnp
from jax import lax
from jax.experimental import pallas as pl
from jax.experimental.pallas import tpu as pltpu
from jax.experimental.pallas import tpu_sc as plsc

NN = 10000
EE = 320000
FF = 128
NG = 64
NC, NS = 2, 16
WORKERS = NC * NS
CH = 80
DEPTH = 3
NCHUNK = EE // CH
CPW = NCHUNK // WORKERS
EPW = EE // WORKERS
RB = CH
TCB = 1000
NB = NN // TCB


def _vmesh():
    return plsc.VectorSubcoreMesh(core_axis_name="c", subcore_axis_name="s")


def _sc_params():
    cp = pltpu.CompilerParams()
    if "needs_layout_passes" in pltpu.CompilerParams.__dataclass_fields__:
        cp = dataclasses.replace(cp, needs_layout_passes=False)
    return cp


def _sc_deg(dst_flat):
    @functools.partial(
        pl.kernel,
        out_type=jax.ShapeDtypeStruct((WORKERS, NN), jnp.float32),
        mesh=_vmesh(),
        compiler_params=_sc_params(),
        scratch_types=[
            pltpu.VMEM((EPW,), jnp.int32),
            pltpu.VMEM((NN,), jnp.float32),
        ],
    )
    def k(dst_hbm, out_hbm, idx_v, hist_v):
        c = lax.axis_index("c")
        s = lax.axis_index("s")
        wid = s * NC + c

        @pl.loop(0, NN // 16)
        def _(i):
            hist_v[pl.ds(i * 16, 16)] = jnp.zeros((16,), jnp.float32)

        pltpu.sync_copy(dst_hbm.at[pl.ds(wid * EPW, EPW)], idx_v)
        ones = jnp.ones((16,), jnp.float32)

        @pl.loop(0, EPW // 16)
        def _(i):
            idx = idx_v[pl.ds(i * 16, 16)]
            plsc.addupdate_scatter(hist_v, [idx], ones)

        pltpu.sync_copy(hist_v, out_hbm.at[wid])

    return k(dst_flat)


def _sc_agg(y, src_flat, dst_flat):
    @functools.partial(
        pl.kernel,
        out_type=jax.ShapeDtypeStruct((NC, NN, FF), jnp.float32),
        mesh=_vmesh(),
        scratch_types=(
            [
                pltpu.VMEM((EPW,), jnp.int32),
                pltpu.VMEM((EPW,), jnp.int32),
            ]
            + [pltpu.VMEM((CH, FF), jnp.float32) for _ in range(DEPTH)]
            + [pltpu.SemaphoreType.DMA for _ in range(2 * DEPTH)]
            + [pltpu.VMEM_SHARED((NN, FF), jnp.float32)]
        ),
    )
    def k(y_hbm, src_hbm, dst_hbm, out_hbm, src_v, dst_v, *rest):
        bufs = rest[:DEPTH]
        sg = rest[DEPTH:2 * DEPTH]
        ss = rest[2 * DEPTH:3 * DEPTH]
        acc = rest[3 * DEPTH]
        c = lax.axis_index("c")
        s = lax.axis_index("s")
        wid = s * NC + c
        nz = jnp.where(s < 13, 8, 7)
        base = 640 * s - 80 * jnp.maximum(s - 13, 0)

        pltpu.sync_copy(src_hbm.at[pl.ds(wid * EPW, EPW)], src_v)
        pltpu.sync_copy(dst_hbm.at[pl.ds(wid * EPW, EPW)], dst_v)

        def _src_at(j):
            return src_v.at[pl.ds(j * CH, CH)]

        def _dst_at(j):
            return dst_v.at[pl.ds(j * CH, CH)]

        pltpu.async_copy(y_hbm.at[_src_at(0)], bufs[0], sg[0])
        pltpu.async_copy(y_hbm.at[_src_at(1)], bufs[1], sg[1])

        zb = bufs[DEPTH - 1]

        @pl.loop(0, RB)
        def _(r):
            @pl.loop(0, FF // 16)
            def _(q):
                zb[r, pl.ds(q * 16, 16)] = jnp.zeros((16,), jnp.float32)

        @pl.loop(0, 8)
        def _(t):
            @pl.when(t < nz)
            def _():
                pltpu.sync_copy(zb, acc.at[pl.ds(base + t * RB, RB)])

        plsc.subcore_barrier()

        def _step(j, b, refill, wait_prev):
            pltpu.make_async_copy(y_hbm.at[_src_at(j)], bufs[b], sg[b]).wait()
            pltpu.async_copy(bufs[b], acc.at[_dst_at(j)], ss[b], add=True)
            if refill:
                b2 = (b + 2) % DEPTH
                if wait_prev:
                    pltpu.make_async_copy(bufs[b2], acc.at[_dst_at(j)],
                                          ss[b2]).wait()
                pltpu.async_copy(y_hbm.at[_src_at(j + 2)], bufs[b2], sg[b2])

        for j in range(DEPTH - 2):
            _step(j, j, True, False)

        GROUPS = (CPW - DEPTH) // DEPTH
        @pl.loop(0, GROUPS)
        def _(t):
            for i in range(DEPTH):
                _step(t * DEPTH + (DEPTH - 2) + i, (DEPTH - 2 + i) % DEPTH,
                      True, True)

        for j in range(GROUPS * DEPTH + DEPTH - 2, CPW):
            _step(j, j % DEPTH, j + 2 < CPW, True)

        for j in range(CPW - DEPTH, CPW):
            pltpu.make_async_copy(bufs[j % DEPTH], acc.at[_dst_at(0)],
                                  ss[j % DEPTH]).wait()

        plsc.subcore_barrier()

        @pl.loop(0, 8)
        def _(t):
            @pl.when(t < nz)
            def _():
                pltpu.sync_copy(
                    acc.at[pl.ds(base + t * RB, RB)],
                    out_hbm.at[c, pl.ds(base + t * RB, RB)],
                )

    return k(y, src_flat, dst_flat)


def _tc_prep(hist, x, w1):
    PB = 1024

    def body(h_ref, x_ref, w_ref, dinv_ref, xw_ref, y_ref):
        deg = jnp.sum(h_ref[...], axis=0) + 1.0
        dinv = lax.rsqrt(deg)
        dinv_ref[...] = dinv[:, None]
        xw = jnp.dot(x_ref[...], w_ref[...], preferred_element_type=jnp.float32)
        xw_ref[...] = xw
        y_ref[...] = dinv[:, None] * xw

    return pl.pallas_call(
        body,
        grid=(NB,),
        in_specs=[
            pl.BlockSpec((WORKERS, PB), lambda i: (0, i)),
            pl.BlockSpec((PB, FF), lambda i: (i, 0)),
            pl.BlockSpec((FF, FF), lambda i: (0, 0)),
        ],
        out_specs=[
            pl.BlockSpec((PB, 1), lambda i: (i, 0)),
            pl.BlockSpec((PB, FF), lambda i: (i, 0)),
            pl.BlockSpec((PB, FF), lambda i: (i, 0)),
        ],
        out_shape=[
            jax.ShapeDtypeStruct((NN, 1), jnp.float32),
            jax.ShapeDtypeStruct((NN, FF), jnp.float32),
            jax.ShapeDtypeStruct((NN, FF), jnp.float32),
        ],
    )(hist, x, w1)


def _tc_combine1(parts, xw1, dinv, b1r, w2):
    def body(p_ref, xw_ref, d_ref, b_ref, w_ref, xw2_ref, y2_ref):
        dinv = d_ref[...]
        h = dinv * (p_ref[0] + p_ref[1]) + dinv * dinv * xw_ref[...] + b_ref[...]
        h = jnp.maximum(h, 0.0)
        xw2 = jnp.dot(h, w_ref[...], preferred_element_type=jnp.float32)
        xw2_ref[...] = xw2
        y2_ref[...] = dinv * xw2

    return pl.pallas_call(
        body,
        grid=(NB,),
        in_specs=[
            pl.BlockSpec((NC, TCB, FF), lambda i: (0, i, 0)),
            pl.BlockSpec((TCB, FF), lambda i: (i, 0)),
            pl.BlockSpec((TCB, 1), lambda i: (i, 0)),
            pl.BlockSpec((1, FF), lambda i: (0, 0)),
            pl.BlockSpec((FF, FF), lambda i: (0, 0)),
        ],
        out_specs=[
            pl.BlockSpec((TCB, FF), lambda i: (i, 0)),
            pl.BlockSpec((TCB, FF), lambda i: (i, 0)),
        ],
        out_shape=[
            jax.ShapeDtypeStruct((NN, FF), jnp.float32),
            jax.ShapeDtypeStruct((NN, FF), jnp.float32),
        ],
    )(parts, xw1, dinv, b1r, w2)


def _tc_pool(parts, xw2, dinv, b2r, batch3d, wm, bmr):
    def body(p_ref, xw_ref, d_ref, b_ref, bt_ref, wm_ref, bm_ref,
             o_ref, sums_ref, cnts_ref):
        i = pl.program_id(0)
        dinv = d_ref[...]
        h2 = dinv * (p_ref[0] + p_ref[1]) + dinv * dinv * xw_ref[...] + b_ref[...]
        bt = bt_ref[0, 0, :]
        gids = lax.broadcasted_iota(jnp.int32, (1, NG), 1)
        onehot = (bt[:, None] == gids).astype(jnp.float32)
        contrib = lax.dot_general(onehot, h2, (((0,), (0,)), ((), ())),
                                  preferred_element_type=jnp.float32)
        cnt = lax.dot_general(onehot, jnp.ones((TCB, FF), jnp.float32),
                              (((0,), (0,)), ((), ())),
                              preferred_element_type=jnp.float32)

        @pl.when(i == 0)
        def _():
            sums_ref[...] = jnp.zeros_like(sums_ref)
            cnts_ref[...] = jnp.zeros_like(cnts_ref)

        sums_ref[...] += contrib
        cnts_ref[...] += cnt

        @pl.when(i == NB - 1)
        def _():
            pooled = sums_ref[...] / jnp.maximum(cnts_ref[...], 1.0)
            o_ref[...] = jnp.dot(pooled, wm_ref[...],
                                 preferred_element_type=jnp.float32) + bm_ref[...]

    out, _, _ = pl.pallas_call(
        body,
        grid=(NB,),
        in_specs=[
            pl.BlockSpec((NC, TCB, FF), lambda i: (0, i, 0)),
            pl.BlockSpec((TCB, FF), lambda i: (i, 0)),
            pl.BlockSpec((TCB, 1), lambda i: (i, 0)),
            pl.BlockSpec((1, FF), lambda i: (0, 0)),
            pl.BlockSpec((1, 1, TCB), lambda i: (i, 0, 0)),
            pl.BlockSpec((FF, FF), lambda i: (0, 0)),
            pl.BlockSpec((1, FF), lambda i: (0, 0)),
        ],
        out_specs=[
            pl.BlockSpec((NG, FF), lambda i: (0, 0)),
            pl.BlockSpec((NG, FF), lambda i: (0, 0)),
            pl.BlockSpec((NG, FF), lambda i: (0, 0)),
        ],
        out_shape=[
            jax.ShapeDtypeStruct((NG, FF), jnp.float32),
            jax.ShapeDtypeStruct((NG, FF), jnp.float32),
            jax.ShapeDtypeStruct((NG, FF), jnp.float32),
        ],
    )(parts, xw2, dinv, b2r, batch3d, wm, bmr)
    return out


def kernel(x, adj, batch, W1, b1, W2, b2, Wm, bm):
    src_flat = adj[0]
    dst_flat = adj[1]
    batch3d = batch.reshape(NB, 1, TCB)
    b1r = b1.reshape(1, FF)
    b2r = b2.reshape(1, FF)
    bmr = bm.reshape(1, FF)

    hist = _sc_deg(dst_flat)
    dinv, xw1, y1 = _tc_prep(hist, x, W1)
    p1 = _sc_agg(y1, src_flat, dst_flat)
    xw2, y2 = _tc_combine1(p1, xw1, dinv, b1r, W2)
    p2 = _sc_agg(y2, src_flat, dst_flat)
    return _tc_pool(p2, xw2, dinv, b2r, batch3d, Wm, bmr)

# --- scband reference (transcript-rebuilt; emitter-appended) ---
"""Pipeline reference for scband-gcn-35433480192644 (READ-ONLY COPY).

The authoritative reference and input builder live on the scoring server;
editing this copy changes nothing except your own understanding.
"""

import jax, jax.numpy as jnp
import numpy as np

N = 10000
E = 320000
F_IN = 128
F1 = 128
F2 = 128
NUM_GRAPHS = 64


def setup_inputs(seed: int = 0) -> dict:
    key = jax.random.key(seed)
    ks = jax.random.split(key, 10)
    x = jax.random.normal(ks[0], (N, F_IN), dtype=jnp.float32)
    adj = jax.random.randint(ks[1], (2, E), 0, N, dtype=jnp.int32)
    batch = jnp.sort(jax.random.randint(ks[2], (N,), 0, NUM_GRAPHS, dtype=jnp.int32))
    W1 = jax.random.normal(ks[3], (F_IN, F1), dtype=jnp.float32) * 0.05
    b1 = jax.random.normal(ks[4], (F1,), dtype=jnp.float32) * 0.05
    W2 = jax.random.normal(ks[5], (F1, F2), dtype=jnp.float32) * 0.05
    b2 = jax.random.normal(ks[6], (F2,), dtype=jnp.float32) * 0.05
    Wm = jax.random.normal(ks[7], (F2, F2), dtype=jnp.float32) * 0.05
    bm = jax.random.normal(ks[8], (F2,), dtype=jnp.float32) * 0.05
    return {"x": x, "adj": adj, "batch": batch, "W1": W1, "b1": b1, "W2": W2, "b2": b2, "Wm": Wm, "bm": bm}


def _gcn_conv(x, adj, W, b):
    # PyG GCNConv: add self-loops, symmetric normalization D^-1/2 (A+I) D^-1/2, then X W + bias
    src = adj[0]
    dst = adj[1]
    loop = jnp.arange(N, dtype=src.dtype)
    src = jnp.concatenate([src, loop])
    dst = jnp.concatenate([dst, loop])
    deg = jax.ops.segment_sum(jnp.ones_like(dst, dtype=x.dtype), dst, num_segments=N)
    dinv = jnp.where(deg > 0, 1.0 / jnp.sqrt(deg), 0.0)
    norm = dinv[src] * dinv[dst]
    xw = x @ W
    msg = xw[src] * norm[:, None]
    out = jax.ops.segment_sum(msg, dst, num_segments=N)
    return out + b


def reference(x, adj, batch, W1, b1, W2, b2, Wm, bm):
    h = jax.nn.relu(_gcn_conv(x, adj, W1, b1))
    h = _gcn_conv(h, adj, W2, b2)
    # graph_readout 'mean' == global_mean_pool over batch segment ids
    sums = jax.ops.segment_sum(h, batch, num_segments=NUM_GRAPHS)
    counts = jax.ops.segment_sum(jnp.ones((h.shape[0],), h.dtype), batch, num_segments=NUM_GRAPHS)
    pooled = sums / jnp.maximum(counts, 1.0)[:, None]
    return pooled @ Wm + bm

if __name__ == "__main__":
    import jax
    _d = setup_inputs()
    print(jax.jit(kernel)(*tuple(_d.values())))

</pallas_src>

<mosaic_0001>
#map = affine_map<(d0, d1) -> (0)>
#map1 = affine_map<(d0, d1) -> (0, 0)>
module attributes {stable_mosaic.version = 14 : i64} {
  func.func @k(%arg0: i32, %arg1: i32, %arg2: memref<320000xi32, #tpu.memory_space<hbm>>, %arg3: memref<32x10000xf32, #tpu.memory_space<hbm>>, %arg4: memref<10000xi32, #tpu.memory_space<vmem>>, %arg5: memref<10000xf32, #tpu.memory_space<vmem>>) attributes {dimension_semantics = [#tpu.dimension_semantics<core_parallel>, #tpu.dimension_semantics<subcore_parallel>], iteration_bounds = array<i64: 2, 16>, scalar_prefetch = 0 : i64, scratch_operands = 2 : i64, tpu.core_type = #tpu.core_type<sc_vector_subcore>, window_params = [{transform_indices = #map}, {transform_indices = #map1}]} {
    %mul3A = arith.constant 2 : i32
    %mul3A_0 = arith.muli %arg1, %mul3A : i32
    %add3A = arith.addi %mul3A_0, %arg0 : i32
    %scan3A = arith.constant 0 : i32
    %scan3A_1 = arith.constant 625 : i32
    %scan3A_2 = arith.addi %scan3A, %scan3A_1 : i32
    %scan3A_3 = arith.constant 1 : i32
    scf.for %scan3A_13 = %scan3A to %scan3A_2 step %scan3A_3  : i32 {
      %mul3A_14 = arith.constant 1 : i32
      %mul3A_15 = arith.muli %scan3A_13, %mul3A_14 : i32
      %add3A_16 = arith.constant 0 : i32
      %add3A_17 = arith.addi %add3A_16, %mul3A_15 : i32
      %broadcast_in_dim3A_18 = arith.constant 0.000000e+00 : f32
      %broadcast_in_dim3A_19 = vector.broadcast %broadcast_in_dim3A_18 : f32 to vector<16xf32>
      %mul3A_20 = arith.constant 16 : i32
      %mul3A_21 = arith.muli %add3A_17, %mul3A_20 : i32
      %swap3A = arith.index_cast %mul3A_21 : i32 to index
      %swap3A_22 = tpu.vector_load %arg5[%swap3A] {strides = array<i32>} : memref<10000xf32, #tpu.memory_space<vmem>>, vector<16xf32>,
      tpu.vector_store %arg5[%swap3A], %broadcast_in_dim3A_19 {strides = array<i32>} : memref<10000xf32, #tpu.memory_space<vmem>>, vector<16xf32>,
    }
    %scan3A_4 = arith.constant 625 : i32
    %mul3A_5 = arith.constant 10000 : i32
    %mul3A_6 = arith.muli %add3A, %mul3A_5 : i32
    "tpu.region"() ({
      %run_scoped3A = tpu.sem_alloc : memref<!tpu.dma_semaphore, #tpu.memory_space<semaphore_mem>>
      %dma_start3A = tpu.memref_slice %arg2[%mul3A_6] : memref<320000xi32, #tpu.memory_space<hbm>> -> memref<10000xi32, #tpu.memory_space<hbm>>
      %dma_start3A_13 = tpu.memref_slice %arg2[%mul3A_6] : memref<320000xi32, #tpu.memory_space<hbm>> -> memref<10000xi32, #tpu.memory_space<hbm>>
      tpu.enqueue_dma source(%dma_start3A_13 : memref<10000xi32, #tpu.memory_space<hbm>>) target(%arg4 : memref<10000xi32, #tpu.memory_space<vmem>>) target_semaphore(%run_scoped3A : memref<!tpu.dma_semaphore, #tpu.memory_space<semaphore_mem>>)
      %dma_wait3A = tpu.memref_slice %arg2[%mul3A_6] : memref<320000xi32, #tpu.memory_space<hbm>> -> memref<10000xi32, #tpu.memory_space<hbm>>
      %dma_wait3A_14 = tpu.memref_slice %arg2[%mul3A_6] : memref<320000xi32, #tpu.memory_space<hbm>> -> memref<10000xi32, #tpu.memory_space<hbm>>
      tpu.wait_dma2 semaphore(%run_scoped3A : memref<!tpu.dma_semaphore, #tpu.memory_space<semaphore_mem>>) src(%dma_wait3A_14 : memref<10000xi32, #tpu.memory_space<hbm>>) dst(%arg4 : memref<10000xi32, #tpu.memory_space<vmem>>)
      tpu.yield
    }) : () -> ()
    %broadcast_in_dim3A = arith.constant 1.000000e+00 : f32
    %broadcast_in_dim3A_7 = vector.broadcast %broadcast_in_dim3A : f32 to vector<16xf32>
    %scan3A_8 = arith.constant 0 : i32
    %scan3A_9 = arith.constant 625 : i32
    %scan3A_10 = arith.addi %scan3A_8, %scan3A_9 : i32
    %scan3A_11 = arith.constant 1 : i32
    scf.for %scan3A_13 = %scan3A_8 to %scan3A_10 step %scan3A_11  : i32 {
      %mul3A_14 = arith.constant 1 : i32
      %mul3A_15 = arith.muli %scan3A_13, %mul3A_14 : i32
      %add3A_16 = arith.constant 0 : i32
      %add3A_17 = arith.addi %add3A_16, %mul3A_15 : i32
      %mul3A_18 = arith.constant 16 : i32
      %mul3A_19 = arith.muli %add3A_17, %mul3A_18 : i32
      %get3A = arith.index_cast %mul3A_19 : i32 to index
      %get3A_20 = tpu.vector_load %arg4[%get3A] {strides = array<i32>} : memref<10000xi32, #tpu.memory_space<vmem>>, vector<16xi32>,
      tpu.vector_store_idx %arg5[%get3A_20], %broadcast_in_dim3A_7 {add = true} : memref<10000xf32, #tpu.memory_space<vmem>>[vector<16xi32>], vector<16xf32>,
    }
    %scan3A_12 = arith.constant 625 : i32
    "tpu.region"() ({
      %run_scoped3A = tpu.sem_alloc : memref<!tpu.dma_semaphore, #tpu.memory_space<semaphore_mem>>
      %dma_start3A = arith.constant 0 : i32
      %dma_start3A_13 = tpu.memref_slice %arg3[%add3A, %dma_start3A] : memref<32x10000xf32, #tpu.memory_space<hbm>> -> memref<1x10000xf32, #tpu.memory_space<hbm>>
      %dma_start3A_14 = tpu.memref_squeeze %dma_start3A_13 : memref<1x10000xf32, #tpu.memory_space<hbm>> -> memref<10000xf32, #tpu.memory_space<hbm>>
      %dma_start3A_15 = arith.constant 0 : i32
      %dma_start3A_16 = tpu.memref_slice %arg3[%add3A, %dma_start3A_15] : memref<32x10000xf32, #tpu.memory_space<hbm>> -> memref<1x10000xf32, #tpu.memory_space<hbm>>
      %dma_start3A_17 = tpu.memref_squeeze %dma_start3A_16 : memref<1x10000xf32, #tpu.memory_space<hbm>> -> memref<10000xf32, #tpu.memory_space<hbm>>
      tpu.enqueue_dma source(%arg5 : memref<10000xf32, #tpu.memory_space<vmem>>) target(%dma_start3A_17 : memref<10000xf32, #tpu.memory_space<hbm>>) target_semaphore(%run_scoped3A : memref<!tpu.dma_semaphore, #tpu.memory_space<semaphore_mem>>)
      %dma_wait3A = arith.constant 0 : i32
      %dma_wait3A_18 = tpu.memref_slice %arg3[%add3A, %dma_wait3A] : memref<32x10000xf32, #tpu.memory_space<hbm>> -> memref<1x10000xf32, #tpu.memory_space<hbm>>
      %dma_wait3A_19 = tpu.memref_squeeze %dma_wait3A_18 : memref<1x10000xf32, #tpu.memory_space<hbm>> -> memref<10000xf32, #tpu.memory_space<hbm>>
      %dma_wait3A_20 = arith.constant 0 : i32
      %dma_wait3A_21 = tpu.memref_slice %arg3[%add3A, %dma_wait3A_20] : memref<32x10000xf32, #tpu.memory_space<hbm>> -> memref<1x10000xf32, #tpu.memory_space<hbm>>
      %dma_wait3A_22 = tpu.memref_squeeze %dma_wait3A_21 : memref<1x10000xf32, #tpu.memory_space<hbm>> -> memref<10000xf32, #tpu.memory_space<hbm>>
      tpu.wait_dma2 semaphore(%run_scoped3A : memref<!tpu.dma_semaphore, #tpu.memory_space<semaphore_mem>>) src(%arg5 : memref<10000xf32, #tpu.memory_space<vmem>>) dst(%dma_wait3A_22 : memref<10000xf32, #tpu.memory_space<hbm>>)
      tpu.yield
    }) : () -> ()
    return
  }
}

#map = affine_map<(d0, d1) -> (0, 0)>
#map1 = affine_map<(d0, d1) -> (0)>
#map2 = affine_map<(d0, d1) -> (0, 0, 0)>
module attributes {stable_mosaic.version = 14 : i64} {
  func.func @k(%arg0: i32, %arg1: i32, %arg2: memref<10000x128xf32, #tpu.memory_space<hbm>>, %arg3: memref<320000xi32, #tpu.memory_space<hbm>>, %arg4: memref<320000xi32, #tpu.memory_space<hbm>>, %arg5: memref<2x10000x128xf32, #tpu.memory_space<hbm>>, %arg6: memref<10000xi32, #tpu.memory_space<vmem>>, %arg7: memref<10000xi32, #tpu.memory_space<vmem>>, %arg8: memref<80x128xf32, #tpu.memory_space<vmem>>, %arg9: memref<80x128xf32, #tpu.memory_space<vmem>>, %arg10: memref<80x128xf32, #tpu.memory_space<vmem>>, %arg11: memref<!tpu.dma_semaphore, #tpu.memory_space<semaphore_mem>>, %arg12: memref<!tpu.dma_semaphore, #tpu.memory_space<semaphore_mem>>, %arg13: memref<!tpu.dma_semaphore, #tpu.memory_space<semaphore_mem>>, %arg14: memref<!tpu.dma_semaphore, #tpu.memory_space<semaphore_mem>>, %arg15: memref<!tpu.dma_semaphore, #tpu.memory_space<semaphore_mem>>, %arg16: memref<!tpu.dma_semaphore, #tpu.memory_space<semaphore_mem>>, %arg17: memref<10000x128xf32, #tpu.memory_space<vmem_shared>>) attributes {dimension_semantics = [#tpu.dimension_semantics<core_parallel>, #tpu.dimension_semantics<subcore_parallel>], iteration_bounds = array<i64: 2, 16>, scalar_prefetch = 0 : i64, scratch_operands = 12 : i64, tpu.core_type = #tpu.core_type<sc_vector_subcore>, window_params = [{transform_indices = #map}, {transform_indices = #map1}, {transform_indices = #map1}, {transform_indices = #map2}]} {
    %mul3A = arith.constant 2 : i32
    %mul3A_0 = arith.muli %arg1, %mul3A : i32
    %add3A = arith.addi %mul3A_0, %arg0 : i32
    %lt3A = arith.constant 13 : i32
    %lt3A_1 = arith.cmpi slt, %arg1, %lt3A : i32
    %jit3A = arith.constant 8 : i32
    %jit3A_2 = arith.constant 7 : i32
    %select_n3A = arith.select %lt3A_1, %jit3A, %jit3A_2 : i32
    %mul3A_3 = arith.constant 640 : i32
    %mul3A_4 = arith.muli %mul3A_3, %arg1 : i32
    %sub3A = arith.constant 13 : i32
    %sub3A_5 = arith.subi %arg1, %sub3A : i32
    %max3A = arith.constant 0 : i32
    %max3A_6 = arith.maxsi %sub3A_5, %max3A : i32
    %mul3A_7 = arith.constant 80 : i32
    %mul3A_8 = arith.muli %mul3A_7, %max3A_6 : i32
    %sub3A_9 = arith.subi %mul3A_4, %mul3A_8 : i32
    %mul3A_10 = arith.constant 10000 : i32
    %mul3A_11 = arith.muli %add3A, %mul3A_10 : i32
    "tpu.region"() ({
      %run_scoped3A = tpu.sem_alloc : memref<!tpu.dma_semaphore, #tpu.memory_space<semaphore_mem>>
      %dma_start3A_132 = tpu.memref_slice %arg3[%mul3A_11] : memref<320000xi32, #tpu.memory_space<hbm>> -> memref<10000xi32, #tpu.memory_space<hbm>>
      %dma_start3A_133 = tpu.memref_slice %arg3[%mul3A_11] : memref<320000xi32, #tpu.memory_space<hbm>> -> memref<10000xi32, #tpu.memory_space<hbm>>
      tpu.enqueue_dma source(%dma_start3A_133 : memref<10000xi32, #tpu.memory_space<hbm>>) target(%arg6 : memref<10000xi32, #tpu.memory_space<vmem>>) target_semaphore(%run_scoped3A : memref<!tpu.dma_semaphore, #tpu.memory_space<semaphore_mem>>)
      %dma_wait3A_134 = tpu.memref_slice %arg3[%mul3A_11] : memref<320000xi32, #tpu.memory_space<hbm>> -> memref<10000xi32, #tpu.memory_space<hbm>>
      %dma_wait3A_135 = tpu.memref_slice %arg3[%mul3A_11] : memref<320000xi32, #tpu.memory_space<hbm>> -> memref<10000xi32, #tpu.memory_space<hbm>>
      tpu.wait_dma2 semaphore(%run_scoped3A : memref<!tpu.dma_semaphore, #tpu.memory_space<semaphore_mem>>) src(%dma_wait3A_135 : memref<10000xi32, #tpu.memory_space<hbm>>) dst(%arg6 : memref<10000xi32, #tpu.memory_space<vmem>>)
      tpu.yield
    }) : () -> ()
    %mul3A_12 = arith.constant 10000 : i32
    %mul3A_13 = arith.muli %add3A, %mul3A_12 : i32
    "tpu.region"() ({
      %run_scoped3A = tpu.sem_alloc : memref<!tpu.dma_semaphore, #tpu.memory_space<semaphore_mem>>
      %dma_start3A_132 = tpu.memref_slice %arg4[%mul3A_13] : memref<320000xi32, #tpu.memory_space<hbm>> -> memref<10000xi32, #tpu.memory_space<hbm>>
      %dma_start3A_133 = tpu.memref_slice %arg4[%mul3A_13] : memref<320000xi32, #tpu.memory_space<hbm>> -> memref<10000xi32, #tpu.memory_space<hbm>>
      tpu.enqueue_dma source(%dma_start3A_133 : memref<10000xi32, #tpu.memory_space<hbm>>) target(%arg7 : memref<10000xi32, #tpu.memory_space<vmem>>) target_semaphore(%run_scoped3A : memref<!tpu.dma_semaphore, #tpu.memory_space<semaphore_mem>>)
      %dma_wait3A_134 = tpu.memref_slice %arg4[%mul3A_13] : memref<320000xi32, #tpu.memory_space<hbm>> -> memref<10000xi32, #tpu.memory_space<hbm>>
      %dma_wait3A_135 = tpu.memref_slice %arg4[%mul3A_13] : memref<320000xi32, #tpu.memory_space<hbm>> -> memref<10000xi32, #tpu.memory_space<hbm>>
      tpu.wait_dma2 semaphore(%run_scoped3A : memref<!tpu.dma_semaphore, #tpu.memory_space<semaphore_mem>>) src(%dma_wait3A_135 : memref<10000xi32, #tpu.memory_space<hbm>>) dst(%arg7 : memref<10000xi32, #tpu.memory_space<vmem>>)
      tpu.yield
    }) : () -> ()
    %dma_start3A = arith.constant 0 : i32
    %dma_start3A_14 = tpu.memref_slice %arg6[%dma_start3A] : memref<10000xi32, #tpu.memory_space<vmem>> -> memref<80xi32, #tpu.memory_space<vmem>>
    %dma_start3A_15 = arith.constant 0 : i32
    %dma_start3A_16 = arith.constant 0 : i32
    %dma_start3A_17 = tpu.memref_slice %arg2[%dma_start3A_15, %dma_start3A_16] : memref<10000x128xf32, #tpu.memory_space<hbm>> -> memref<10000x128xf32, #tpu.memory_space<hbm>>
    tpu.enqueue_indirect_dma source(%dma_start3A_17 : memref<10000x128xf32, #tpu.memory_space<hbm>>) target(%arg8 : memref<80x128xf32, #tpu.memory_space<vmem>>) offsets(%dma_start3A_14 : memref<80xi32, #tpu.memory_space<vmem>>) semaphore(%arg11 : memref<!tpu.dma_semaphore, #tpu.memory_space<semaphore_mem>>)
    %dma_start3A_18 = arith.constant 80 : i32
    %dma_start3A_19 = tpu.memref_slice %arg6[%dma_start3A_18] : memref<10000xi32, #tpu.memory_space<vmem>> -> memref<80xi32, #tpu.memory_space<vmem>>
    %dma_start3A_20 = arith.constant 0 : i32
    %dma_start3A_21 = arith.constant 0 : i32
    %dma_start3A_22 = tpu.memref_slice %arg2[%dma_start3A_20, %dma_start3A_21] : memref<10000x128xf32, #tpu.memory_space<hbm>> -> memref<10000x128xf32, #tpu.memory_space<hbm>>
    tpu.enqueue_indirect_dma source(%dma_start3A_22 : memref<10000x128xf32, #tpu.memory_space<hbm>>) target(%arg9 : memref<80x128xf32, #tpu.memory_space<vmem>>) offsets(%dma_start3A_19 : memref<80xi32, #tpu.memory_space<vmem>>) semaphore(%arg12 : memref<!tpu.dma_semaphore, #tpu.memory_space<semaphore_mem>>)
    %scan3A = arith.constant 0 : i32
    %scan3A_23 = arith.constant 80 : i32
    %scan3A_24 = arith.addi %scan3A, %scan3A_23 : i32
    %scan3A_25 = arith.constant 1 : i32
    scf.for %scan3A_132 = %scan3A to %scan3A_24 step %scan3A_25  : i32 {
      %mul3A_133 = arith.constant 1 : i32
      %mul3A_134 = arith.muli %scan3A_132, %mul3A_133 : i32
      %add3A_135 = arith.constant 0 : i32
      %add3A_136 = arith.addi %add3A_135, %mul3A_134 : i32
      %scan3A_137 = arith.constant 0 : i32
      %scan3A_138 = arith.constant 8 : i32
      %scan3A_139 = arith.addi %scan3A_137, %scan3A_138 : i32
      %scan3A_140 = arith.constant 1 : i32
      scf.for %scan3A_142 = %scan3A_137 to %scan3A_139 step %scan3A_140  : i32 {
        %mul3A_143 = arith.constant 1 : i32
        %mul3A_144 = arith.muli %scan3A_142, %mul3A_143 : i32
        %add3A_145 = arith.constant 0 : i32
        %add3A_146 = arith.addi %add3A_145, %mul3A_144 : i32
        %broadcast_in_dim3A = arith.constant 0.000000e+00 : f32
        %broadcast_in_dim3A_147 = vector.broadcast %broadcast_in_dim3A : f32 to vector<16xf32>
        %mul3A_148 = arith.constant 16 : i32
        %mul3A_149 = arith.muli %add3A_146, %mul3A_148 : i32
        %swap3A = arith.index_cast %add3A_136 : i32 to index
        %swap3A_150 = arith.index_cast %mul3A_149 : i32 to index
        %swap3A_151 = tpu.vector_load %arg10[%swap3A, %swap3A_150] {strides = array<i32>} : memref<80x128xf32, #tpu.memory_space<vmem>>, vector<1x16xf32>,
        %swap3A_152 = vector.shape_cast %swap3A_151 : vector<1x16xf32> to vector<16xf32>
        %swap3A_153 = vector.shape_cast %broadcast_in_dim3A_147 : vector<16xf32> to vector<1x16xf32>
        tpu.vector_store %arg10[%swap3A, %swap3A_150], %swap3A_153 {strides = array<i32>} : memref<80x128xf32, #tpu.memory_space<vmem>>, vector<1x16xf32>,
      }
      %scan3A_141 = arith.constant 8 : i32
    }
    %scan3A_26 = arith.constant 80 : i32
    %scan3A_27 = arith.constant 0 : i32
    %scan3A_28 = arith.constant 8 : i32
    %scan3A_29 = arith.addi %scan3A_27, %scan3A_28 : i32
    %scan3A_30 = arith.constant 1 : i32
    scf.for %scan3A_132 = %scan3A_27 to %scan3A_29 step %scan3A_30  : i32 {
      %mul3A_133 = arith.constant 1 : i32
      %mul3A_134 = arith.muli %scan3A_132, %mul3A_133 : i32
      %add3A_135 = arith.constant 0 : i32
      %add3A_136 = arith.addi %add3A_135, %mul3A_134 : i32
      %lt3A_137 = arith.cmpi slt, %add3A_136, %select_n3A : i32
      %convert_element_type3A = arith.extui %lt3A_137 : i1 to i32
      %cond3A = arith.constant 0 : i32
      %cond3A_138 = arith.cmpi ne, %convert_element_type3A, %cond3A : i32
      scf.if %cond3A_138 {
        %mul3A_139 = arith.constant 80 : i32
        %mul3A_140 = arith.muli %add3A_136, %mul3A_139 : i32
        %add3A_141 = arith.addi %sub3A_9, %mul3A_140 : i32
        "tpu.region"() ({
          %run_scoped3A = tpu.sem_alloc : memref<!tpu.dma_semaphore, #tpu.memory_space<semaphore_mem>>
          %dma_start3A_142 = arith.constant 0 : i32
          %dma_start3A_143 = tpu.memref_slice %arg17[%add3A_141, %dma_start3A_142] : memref<10000x128xf32, #tpu.memory_space<vmem_shared>> -> memref<80x128xf32, #tpu.memory_space<vmem_shared>>
          %dma_start3A_144 = arith.constant 0 : i32
          %dma_start3A_145 = tpu.memref_slice %arg17[%add3A_141, %dma_start3A_144] : memref<10000x128xf32, #tpu.memory_space<vmem_shared>> -> memref<80x128xf32, #tpu.memory_space<vmem_shared>>
          tpu.enqueue_dma source(%arg10 : memref<80x128xf32, #tpu.memory_space<vmem>>) target(%dma_start3A_145 : memref<80x128xf32, #tpu.memory_space<vmem_shared>>) target_semaphore(%run_scoped3A : memref<!tpu.dma_semaphore, #tpu.memory_space<semaphore_mem>>)
          %dma_wait3A_146 = arith.constant 0 : i32
          %dma_wait3A_147 = tpu.memref_slice %arg17[%add3A_141, %dma_wait3A_146] : memref<10000x128xf32, #tpu.memory_space<vmem_shared>> -> memref<80x128xf32, #tpu.memory_space<vmem_shared>>
          %dma_wait3A_148 = arith.constant 0 : i32
          %dma_wait3A_149 = tpu.memref_slice %arg17[%add3A_141, %dma_wait3A_148] : memref<10000x128xf32, #tpu.memory_space<vmem_shared>> -> memref<80x128xf32, #tpu.memory_space<vmem_shared>>
          tpu.wait_dma2 semaphore(%run_scoped3A : memref<!tpu.dma_semaphore, #tpu.memory_space<semaphore_mem>>) src(%arg10 : memref<80x128xf32, #tpu.memory_space<vmem>>) dst(%dma_wait3A_149 : memref<80x128xf32, #tpu.memory_space<vmem_shared>>)
          tpu.yield
        }) : () -> ()
      } else {
      }
    }
    %scan3A_31 = arith.constant 8 : i32
    %barrier3A = arith.constant 0 : index
    tpu.barrier barrier_id(%barrier3A)
    %dma_wait3A = arith.constant 0 : i32
    %dma_wait3A_32 = tpu.memref_slice %arg6[%dma_wait3A] : memref<10000xi32, #tpu.memory_space<vmem>> -> memref<80xi32, #tpu.memory_space<vmem>>
    %dma_wait3A_33 = arith.constant 0 : i32
    %dma_wait3A_34 = arith.constant 0 : i32
    %dma_wait3A_35 = tpu.memref_slice %arg2[%dma_wait3A_33, %dma_wait3A_34] : memref<10000x128xf32, #tpu.memory_space<hbm>> -> memref<10000x128xf32, #tpu.memory_space<hbm>>
    tpu.wait_indirect_dma semaphore(%arg11 : memref<!tpu.dma_semaphore, #tpu.memory_space<semaphore_mem>>) src(%dma_wait3A_35 : memref<10000x128xf32, #tpu.memory_space<hbm>>) dst(%arg8 : memref<80x128xf32, #tpu.memory_space<vmem>>)
    %dma_start3A_36 = arith.constant 0 : i32
    %dma_start3A_37 = tpu.memref_slice %arg7[%dma_start3A_36] : memref<10000xi32, #tpu.memory_space<vmem>> -> memref<80xi32, #tpu.memory_space<vmem>>
    %dma_start3A_38 = arith.constant 0 : i32
    %dma_start3A_39 = arith.constant 0 : i32
    %dma_start3A_40 = tpu.memref_slice %arg17[%dma_start3A_38, %dma_start3A_39] : memref<10000x128xf32, #tpu.memory_space<vmem_shared>> -> memref<10000x128xf32, #tpu.memory_space<vmem_shared>>
    tpu.enqueue_indirect_dma source(%arg8 : memref<80x128xf32, #tpu.memory_space<vmem>>) target(%dma_start3A_40 : memref<10000x128xf32, #tpu.memory_space<vmem_shared>>) offsets(%dma_start3A_37 : memref<80xi32, #tpu.memory_space<vmem>>) semaphore(%arg14 : memref<!tpu.dma_semaphore, #tpu.memory_space<semaphore_mem>>) {add = true}
    %dma_start3A_41 = arith.constant 160 : i32
    %dma_start3A_42 = tpu.memref_slice %arg6[%dma_start3A_41] : memref<10000xi32, #tpu.memory_space<vmem>> -> memref<80xi32, #tpu.memory_space<vmem>>
    %dma_start3A_43 = arith.constant 0 : i32
    %dma_start3A_44 = arith.constant 0 : i32
    %dma_start3A_45 = tpu.memref_slice %arg2[%dma_start3A_43, %dma_start3A_44] : memref<10000x128xf32, #tpu.memory_space<hbm>> -> memref<10000x128xf32, #tpu.memory_space<hbm>>
    tpu.enqueue_indirect_dma source(%dma_start3A_45 : memref<10000x128xf32, #tpu.memory_space<hbm>>) target(%arg10 : memref<80x128xf32, #tpu.memory_space<vmem>>) offsets(%dma_start3A_42 : memref<80xi32, #tpu.memory_space<vmem>>) semaphore(%arg13 : memref<!tpu.dma_semaphore, #tpu.memory_space<semaphore_mem>>)
    %scan3A_46 = arith.constant 0 : i32
    %scan3A_47 = arith.constant 40 : i32
    %scan3A_48 = arith.addi %scan3A_46, %scan3A_47 : i32
    %scan3A_49 = arith.constant 1 : i32
    scf.for %scan3A_132 = %scan3A_46 to %scan3A_48 step %scan3A_49  : i32 {
      %mul3A_133 = arith.constant 1 : i32
      %mul3A_134 = arith.muli %scan3A_132, %mul3A_133 : i32
      %add3A_135 = arith.constant 0 : i32
      %add3A_136 = arith.addi %add3A_135, %mul3A_134 : i32
      %mul3A_137 = arith.constant 3 : i32
      %mul3A_138 = arith.muli %add3A_136, %mul3A_137 : i32
      %add3A_139 = arith.constant 1 : i32
      %add3A_140 = arith.addi %mul3A_138, %add3A_139 : i32
      %add3A_141 = arith.constant 0 : i32
      %add3A_142 = arith.addi %add3A_140, %add3A_141 : i32
      %mul3A_143 = arith.constant 80 : i32
      %mul3A_144 = arith.muli %add3A_142, %mul3A_143 : i32
      %dma_wait3A_145 = tpu.memref_slice %arg6[%mul3A_144] : memref<10000xi32, #tpu.memory_space<vmem>> -> memref<80xi32, #tpu.memory_space<vmem>>
      %dma_wait3A_146 = arith.constant 0 : i32
      %dma_wait3A_147 = arith.constant 0 : i32
      %dma_wait3A_148 = tpu.memref_slice %arg2[%dma_wait3A_146, %dma_wait3A_147] : memref<10000x128xf32, #tpu.memory_space<hbm>> -> memref<10000x128xf32, #tpu.memory_space<hbm>>
      tpu.wait_indirect_dma semaphore(%arg12 : memref<!tpu.dma_semaphore, #tpu.memory_space<semaphore_mem>>) src(%dma_wait3A_148 : memref<10000x128xf32, #tpu.memory_space<hbm>>) dst(%arg9 : memref<80x128xf32, #tpu.memory_space<vmem>>)
      %mul3A_149 = arith.constant 80 : i32
      %mul3A_150 = arith.muli %add3A_142, %mul3A_149 : i32
      %dma_start3A_151 = tpu.memref_slice %arg7[%mul3A_150] : memref<10000xi32, #tpu.memory_space<vmem>> -> memref<80xi32, #tpu.memory_space<vmem>>
      %dma_start3A_152 = arith.constant 0 : i32
      %dma_start3A_153 = arith.constant 0 : i32
      %dma_start3A_154 = tpu.memref_slice %arg17[%dma_start3A_152, %dma_start3A_153] : memref<10000x128xf32, #tpu.memory_space<vmem_shared>> -> memref<10000x128xf32, #tpu.memory_space<vmem_shared>>
      tpu.enqueue_indirect_dma source(%arg9 : memref<80x128xf32, #tpu.memory_space<vmem>>) target(%dma_start3A_154 : memref<10000x128xf32, #tpu.memory_space<vmem_shared>>) offsets(%dma_start3A_151 : memref<80xi32, #tpu.memory_space<vmem>>) semaphore(%arg15 : memref<!tpu.dma_semaphore, #tpu.memory_space<semaphore_mem>>) {add = true}
      %mul3A_155 = arith.constant 80 : i32
      %mul3A_156 = arith.muli %add3A_142, %mul3A_155 : i32
      %dma_wait3A_157 = tpu.memref_slice %arg7[%mul3A_156] : memref<10000xi32, #tpu.memory_space<vmem>> -> memref<80xi32, #tpu.memory_space<vmem>>
      %dma_wait3A_158 = arith.constant 0 : i32
      %dma_wait3A_159 = arith.constant 0 : i32
      %dma_wait3A_160 = tpu.memref_slice %arg17[%dma_wait3A_158, %dma_wait3A_159] : memref<10000x128xf32, #tpu.memory_space<vmem_shared>> -> memref<10000x128xf32, #tpu.memory_space<vmem_shared>>
      tpu.wait_indirect_dma semaphore(%arg14 : memref<!tpu.dma_semaphore, #tpu.memory_space<semaphore_mem>>) src(%arg8 : memref<80x128xf32, #tpu.memory_space<vmem>>) dst(%dma_wait3A_160 : memref<10000x128xf32, #tpu.memory_space<vmem_shared>>)
      %add3A_161 = arith.constant 2 : i32
      %add3A_162 = arith.addi %add3A_142, %add3A_161 : i32
      %mul3A_163 = arith.constant 80 : i32
      %mul3A_164 = arith.muli %add3A_162, %mul3A_163 : i32
      %dma_start3A_165 = tpu.memref_slice %arg6[%mul3A_164] : memref<10000xi32, #tpu.memory_space<vmem>> -> memref<80xi32, #tpu.memory_space<vmem>>
      %dma_start3A_166 = arith.constant 0 : i32
      %dma_start3A_167 = arith.constant 0 : i32
      %dma_start3A_168 = tpu.memref_slice %arg2[%dma_start3A_166, %dma_start3A_167] : memref<10000x128xf32, #tpu.memory_space<hbm>> -> memref<10000x128xf32, #tpu.memory_space<hbm>>
      tpu.enqueue_indirect_dma source(%dma_start3A_168 : memref<10000x128xf32, #tpu.memory_space<hbm>>) target(%arg8 : memref<80x128xf32, #tpu.memory_space<vmem>>) offsets(%dma_start3A_165 : memref<80xi32, #tpu.memory_space<vmem>>) semaphore(%arg11 : memref<!tpu.dma_semaphore, #tpu.memory_space<semaphore_mem>>)
      %mul3A_169 = arith.constant 3 : i32
      %mul3A_170 = arith.muli %add3A_136, %mul3A_169 : i32
      %add3A_171 = arith.constant 1 : i32
      %add3A_172 = arith.addi %mul3A_170, %add3A_171 : i32
      %add3A_173 = arith.constant 1 : i32
      %add3A_174 = arith.addi %add3A_172, %add3A_173 : i32
      %mul3A_175 = arith.constant 80 : i32
      %mul3A_176 = arith.muli %add3A_174, %mul3A_175 : i32
      %dma_wait3A_177 = tpu.memref_slice %arg6[%mul3A_176] : memref<10000xi32, #tpu.memory_space<vmem>> -> memref<80xi32, #tpu.memory_space<vmem>>
      %dma_wait3A_178 = arith.constant 0 : i32
      %dma_wait3A_179 = arith.constant 0 : i32
      %dma_wait3A_180 = tpu.memref_slice %arg2[%dma_wait3A_178, %dma_wait3A_179] : memref<10000x128xf32, #tpu.memory_space<hbm>> -> memref<10000x128xf32, #tpu.memory_space<hbm>>
      tpu.wait_indirect_dma semaphore(%arg13 : memref<!tpu.dma_semaphore, #tpu.memory_space<semaphore_mem>>) src(%dma_wait3A_180 : memref<10000x128xf32, #tpu.memory_space<hbm>>) dst(%arg10 : memref<80x128xf32, #tpu.memory_space<vmem>>)
      %mul3A_181 = arith.constant 80 : i32
      %mul3A_182 = arith.muli %add3A_174, %mul3A_181 : i32
      %dma_start3A_183 = tpu.memref_slice %arg7[%mul3A_182] : memref<10000xi32, #tpu.memory_space<vmem>> -> memref<80xi32, #tpu.memory_space<vmem>>
      %dma_start3A_184 = arith.constant 0 : i32
      %dma_start3A_185 = arith.constant 0 : i32
      %dma_start3A_186 = tpu.memref_slice %arg17[%dma_start3A_184, %dma_start3A_185] : memref<10000x128xf32, #tpu.memory_space<vmem_shared>> -> memref<10000x128xf32, #tpu.memory_space<vmem_shared>>
      tpu.enqueue_indirect_dma source(%arg10 : memref<80x128xf32, #tpu.memory_space<vmem>>) target(%dma_start3A_186 : memref<10000x128xf32, #tpu.memory_space<vmem_shared>>) offsets(%dma_start3A_183 : memref<80xi32, #tpu.memory_space<vmem>>) semaphore(%arg16 : memref<!tpu.dma_semaphore, #tpu.memory_space<semaphore_mem>>) {add = true}
      %mul3A_187 = arith.constant 80 : i32
      %mul3A_188 = arith.muli %add3A_174, %mul3A_187 : i32
      %dma_wait3A_189 = tpu.memref_slice %arg7[%mul3A_188] : memref<10000xi32, #tpu.memory_space<vmem>> -> memref<80xi32, #tpu.memory_space<vmem>>
      %dma_wait3A_190 = arith.constant 0 : i32
      %dma_wait3A_191 = arith.constant 0 : i32
      %dma_wait3A_192 = tpu.memref_slice %arg17[%dma_wait3A_190, %dma_wait3A_191] : memref<10000x128xf32, #tpu.memory_space<vmem_shared>> -> memref<10000x128xf32, #tpu.memory_space<vmem_shared>>
      tpu.wait_indirect_dma semaphore(%arg15 : memref<!tpu.dma_semaphore, #tpu.memory_space<semaphore_mem>>) src(%arg9 : memref<80x128xf32, #tpu.memory_space<vmem>>) dst(%dma_wait3A_192 : memref<10000x128xf32, #tpu.memory_space<vmem_shared>>)
      %add3A_193 = arith.constant 2 : i32
      %add3A_194 = arith.addi %add3A_174, %add3A_193 : i32
      %mul3A_195 = arith.constant 80 : i32
      %mul3A_196 = arith.muli %add3A_194, %mul3A_195 : i32
      %dma_start3A_197 = tpu.memref_slice %arg6[%mul3A_196] : memref<10000xi32, #tpu.memory_space<vmem>> -> memref<80xi32, #tpu.memory_space<vmem>>
      %dma_start3A_198 = arith.constant 0 : i32
      %dma_start3A_199 = arith.constant 0 : i32
      %dma_start3A_200 = tpu.memref_slice %arg2[%dma_start3A_198, %dma_start3A_199] : memref<10000x128xf32, #tpu.memory_space<hbm>> -> memref<10000x128xf32, #tpu.memory_space<hbm>>
      tpu.enqueue_indirect_dma source(%dma_start3A_200 : memref<10000x128xf32, #tpu.memory_space<hbm>>) target(%arg9 : memref<80x128xf32, #tpu.memory_space<vmem>>) offsets(%dma_start3A_197 : memref<80xi32, #tpu.memory_space<vmem>>) semaphore(%arg12 : memref<!tpu.dma_semaphore, #tpu.memory_space<semaphore_mem>>)
      %mul3A_201 = arith.constant 3 : i32
      %mul3A_202 = arith.muli %add3A_136, %mul3A_201 : i32
      %add3A_203 = arith.constant 1 : i32
      %add3A_204 = arith.addi %mul3A_202, %add3A_203 : i32
      %add3A_205 = arith.constant 2 : i32
      %add3A_206 = arith.addi %add3A_204, %add3A_205 : i32
      %mul3A_207 = arith.constant 80 : i32
      %mul3A_208 = arith.muli %add3A_206, %mul3A_207 : i32
      %dma_wait3A_209 = tpu.memref_slice %arg6[%mul3A_208] : memref<10000xi32, #tpu.memory_space<vmem>> -> memref<80xi32, #tpu.memory_space<vmem>>
      %dma_wait3A_210 = arith.constant 0 : i32
      %dma_wait3A_211 = arith.constant 0 : i32
      %dma_wait3A_212 = tpu.memref_slice %arg2[%dma_wait3A_210, %dma_wait3A_211] : memref<10000x128xf32, #tpu.memory_space<hbm>> -> memref<10000x128xf32, #tpu.memory_space<hbm>>
      tpu.wait_indirect_dma semaphore(%arg11 : memref<!tpu.dma_semaphore, #tpu.memory_space<semaphore_mem>>) src(%dma_wait3A_212 : memref<10000x128xf32, #tpu.memory_space<hbm>>) dst(%arg8 : memref<80x128xf32, #tpu.memory_space<vmem>>)
      %mul3A_213 = arith.constant 80 : i32
      %mul3A_214 = arith.muli %add3A_206, %mul3A_213 : i32
      %dma_start3A_215 = tpu.memref_slice %arg7[%mul3A_214] : memref<10000xi32, #tpu.memory_space<vmem>> -> memref<80xi32, #tpu.memory_space<vmem>>
      %dma_start3A_216 = arith.constant 0 : i32
      %dma_start3A_217 = arith.constant 0 : i32
      %dma_start3A_218 = tpu.memref_slice %arg17[%dma_start3A_216, %dma_start3A_217] : memref<10000x128xf32, #tpu.memory_space<vmem_shared>> -> memref<10000x128xf32, #tpu.memory_space<vmem_shared>>
      tpu.enqueue_indirect_dma source(%arg8 : memref<80x128xf32, #tpu.memory_space<vmem>>) target(%dma_start3A_218 : memref<10000x128xf32, #tpu.memory_space<vmem_shared>>) offsets(%dma_start3A_215 : memref<80xi32, #tpu.memory_space<vmem>>) semaphore(%arg14 : memref<!tpu.dma_semaphore, #tpu.memory_space<semaphore_mem>>) {add = true}
      %mul3A_219 = arith.constant 80 : i32
      %mul3A_220 = arith.muli %add3A_206, %mul3A_219 : i32
      %dma_wait3A_221 = tpu.memref_slice %arg7[%mul3A_220] : memref<10000xi32, #tpu.memory_space<vmem>> -> memref<80xi32, #tpu.memory_space<vmem>>
      %dma_wait3A_222 = arith.constant 0 : i32
      %dma_wait3A_223 = arith.constant 0 : i32
      %dma_wait3A_224 = tpu.memref_slice %arg17[%dma_wait3A_222, %dma_wait3A_223] : memref<10000x128xf32, #tpu.memory_space<vmem_shared>> -> memref<10000x128xf32, #tpu.memory_space<vmem_shared>>
      tpu.wait_indirect_dma semaphore(%arg16 : memref<!tpu.dma_semaphore, #tpu.memory_space<semaphore_mem>>) src(%arg10 : memref<80x128xf32, #tpu.memory_space<vmem>>) dst(%dma_wait3A_224 : memref<10000x128xf32, #tpu.memory_space<vmem_shared>>)
      %add3A_225 = arith.constant 2 : i32
      %add3A_226 = arith.addi %add3A_206, %add3A_225 : i32
      %mul3A_227 = arith.constant 80 : i32
      %mul3A_228 = arith.muli %add3A_226, %mul3A_227 : i32
      %dma_start3A_229 = tpu.memref_slice %arg6[%mul3A_228] : memref<10000xi32, #tpu.memory_space<vmem>> -> memref<80xi32, #tpu.memory_space<vmem>>
      %dma_start3A_230 = arith.constant 0 : i32
      %dma_start3A_231 = arith.constant 0 : i32
      %dma_start3A_232 = tpu.memref_slice %arg2[%dma_start3A_230, %dma_start3A_231] : memref<10000x128xf32, #tpu.memory_space<hbm>> -> memref<10000x128xf32, #tpu.memory_space<hbm>>
      tpu.enqueue_indirect_dma source(%dma_start3A_232 : memref<10000x128xf32, #tpu.memory_space<hbm>>) target(%arg10 : memref<80x128xf32, #tpu.memory_space<vmem>>) offsets(%dma_start3A_229 : memref<80xi32, #tpu.memory_space<vmem>>) semaphore(%arg13 : memref<!tpu.dma_semaphore, #tpu.memory_space<semaphore_mem>>)
    }
    %scan3A_50 = arith.constant 40 : i32
    %dma_wait3A_51 = arith.constant 9680 : i32
    %dma_wait3A_52 = tpu.memref_slice %arg6[%dma_wait3A_51] : memref<10000xi32, #tpu.memory_space<vmem>> -> memref<80xi32, #tpu.memory_space<vmem>>
    %dma_wait3A_53 = arith.constant 0 : i32
    %dma_wait3A_54 = arith.constant 0 : i32
    %dma_wait3A_55 = tpu.memref_slice %arg2[%dma_wait3A_53, %dma_wait3A_54] : memref<10000x128xf32, #tpu.memory_space<hbm>> -> memref<10000x128xf32, #tpu.memory_space<hbm>>
    tpu.wait_indirect_dma semaphore(%arg12 : memref<!tpu.dma_semaphore, #tpu.memory_space<semaphore_mem>>) src(%dma_wait3A_55 : memref<10000x128xf32, #tpu.memory_space<hbm>>) dst(%arg9 : memref<80x128xf32, #tpu.memory_space<vmem>>)
    %dma_start3A_56 = arith.constant 9680 : i32
    %dma_start3A_57 = tpu.memref_slice %arg7[%dma_start3A_56] : memref<10000xi32, #tpu.memory_space<vmem>> -> memref<80xi32, #tpu.memory_space<vmem>>
    %dma_start3A_58 = arith.constant 0 : i32
    %dma_start3A_59 = arith.constant 0 : i32
    %dma_start3A_60 = tpu.memref_slice %arg17[%dma_start3A_58, %dma_start3A_59] : memref<10000x128xf32, #tpu.memory_space<vmem_shared>> -> memref<10000x128xf32, #tpu.memory_space<vmem_shared>>
    tpu.enqueue_indirect_dma source(%arg9 : memref<80x128xf32, #tpu.memory_space<vmem>>) target(%dma_start3A_60 : memref<10000x128xf32, #tpu.memory_space<vmem_shared>>) offsets(%dma_start3A_57 : memref<80xi32, #tpu.memory_space<vmem>>) semaphore(%arg15 : memref<!tpu.dma_semaphore, #tpu.memory_space<semaphore_mem>>) {add = true}
    %dma_wait3A_61 = arith.constant 9680 : i32
    %dma_wait3A_62 = tpu.memref_slice %arg7[%dma_wait3A_61] : memref<10000xi32, #tpu.memory_space<vmem>> -> memref<80xi32, #tpu.memory_space<vmem>>
    %dma_wait3A_63 = arith.constant 0 : i32
    %dma_wait3A_64 = arith.constant 0 : i32
    %dma_wait3A_65 = tpu.memref_slice %arg17[%dma_wait3A_63, %dma_wait3A_64] : memref<10000x128xf32, #tpu.memory_space<vmem_shared>> -> memref<10000x128xf32, #tpu.memory_space<vmem_shared>>
    tpu.wait_indirect_dma semaphore(%arg14 : memref<!tpu.dma_semaphore, #tpu.memory_space<semaphore_mem>>) src(%arg8 : memref<80x128xf32, #tpu.memory_space<vmem>>) dst(%dma_wait3A_65 : memref<10000x128xf32, #tpu.memory_space<vmem_shared>>)
    %dma_start3A_66 = arith.constant 9840 : i32
    %dma_start3A_67 = tpu.memref_slice %arg6[%dma_start3A_66] : memref<10000xi32, #tpu.memory_space<vmem>> -> memref<80xi32, #tpu.memory_space<vmem>>
    %dma_start3A_68 = arith.constant 0 : i32
    %dma_start3A_69 = arith.constant 0 : i32
    %dma_start3A_70 = tpu.memref_slice %arg2[%dma_start3A_68, %dma_start3A_69] : memref<10000x128xf32, #tpu.memory_space<hbm>> -> memref<10000x128xf32, #tpu.memory_space<hbm>>
    tpu.enqueue_indirect_dma source(%dma_start3A_70 : memref<10000x128xf32, #tpu.memory_space<hbm>>) target(%arg8 : memref<80x128xf32, #tpu.memory_space<vmem>>) offsets(%dma_start3A_67 : memref<80xi32, #tpu.memory_space<vmem>>) semaphore(%arg11 : memref<!tpu.dma_semaphore, #tpu.memory_space<semaphore_mem>>)
    %dma_wait3A_71 = arith.constant 9760 : i32
    %dma_wait3A_72 = tpu.memref_slice %arg6[%dma_wait3A_71] : memref<10000xi32, #tpu.memory_space<vmem>> -> memref<80xi32, #tpu.memory_space<vmem>>
    %dma_wait3A_73 = arith.constant 0 : i32
    %dma_wait3A_74 = arith.constant 0 : i32
    %dma_wait3A_75 = tpu.memref_slice %arg2[%dma_wait3A_73, %dma_wait3A_74] : memref<10000x128xf32, #tpu.memory_space<hbm>> -> memref<10000x128xf32, #tpu.memory_space<hbm>>
    tpu.wait_indirect_dma semaphore(%arg13 : memref<!tpu.dma_semaphore, #tpu.memory_space<semaphore_mem>>) src(%dma_wait3A_75 : memref<10000x128xf32, #tpu.memory_space<hbm>>) dst(%arg10 : memref<80x128xf32, #tpu.memory_space<vmem>>)
    %dma_start3A_76 = arith.constant 9760 : i32
    %dma_start3A_77 = tpu.memref_slice %arg7[%dma_start3A_76] : memref<10000xi32, #tpu.memory_space<vmem>> -> memref<80xi32, #tpu.memory_space<vmem>>
    %dma_start3A_78 = arith.constant 0 : i32
    %dma_start3A_79 = arith.constant 0 : i32
    %dma_start3A_80 = tpu.memref_slice %arg17[%dma_start3A_78, %dma_start3A_79] : memref<10000x128xf32, #tpu.memory_space<vmem_shared>> -> memref<10000x128xf32, #tpu.memory_space<vmem_shared>>
    tpu.enqueue_indirect_dma source(%arg10 : memref<80x128xf32, #tpu.memory_space<vmem>>) target(%dma_start3A_80 : memref<10000x128xf32, #tpu.memory_space<vmem_shared>>) offsets(%dma_start3A_77 : memref<80xi32, #tpu.memory_space<vmem>>) semaphore(%arg16 : memref<!tpu.dma_semaphore, #tpu.memory_space<semaphore_mem>>) {add = true}
    %dma_wait3A_81 = arith.constant 9760 : i32
    %dma_wait3A_82 = tpu.memref_slice %arg7[%dma_wait3A_81] : memref<10000xi32, #tpu.memory_space<vmem>> -> memref<80xi32, #tpu.memory_space<vmem>>
    %dma_wait3A_83 = arith.constant 0 : i32
    %dma_wait3A_84 = arith.constant 0 : i32
    %dma_wait3A_85 = tpu.memref_slice %arg17[%dma_wait3A_83, %dma_wait3A_84] : memref<10000x128xf32, #tpu.memory_space<vmem_shared>> -> memref<10000x128xf32, #tpu.memory_space<vmem_shared>>
    tpu.wait_indirect_dma semaphore(%arg15 : memref<!tpu.dma_semaphore, #tpu.memory_space<semaphore_mem>>) src(%arg9 : memref<80x128xf32, #tpu.memory_space<vmem>>) dst(%dma_wait3A_85 : memref<10000x128xf32, #tpu.memory_space<vmem_shared>>)
    %dma_start3A_86 = arith.constant 9920 : i32
    %dma_start3A_87 = tpu.memref_slice %arg6[%dma_start3A_86] : memref<10000xi32, #tpu.memory_space<vmem>> -> memref<80xi32, #tpu.memory_space<vmem>>
    %dma_start3A_88 = arith.constant 0 : i32
    %dma_start3A_89 = arith.constant 0 : i32
    %dma_start3A_90 = tpu.memref_slice %arg2[%dma_start3A_88, %dma_start3A_89] : memref<10000x128xf32, #tpu.memory_space<hbm>> -> memref<10000x128xf32, #tpu.memory_space<hbm>>
    tpu.enqueue_indirect_dma source(%dma_start3A_90 : memref<10000x128xf32, #tpu.memory_space<hbm>>) target(%arg9 : memref<80x128xf32, #tpu.memory_space<vmem>>) offsets(%dma_start3A_87 : memref<80xi32, #tpu.memory_space<vmem>>) semaphore(%arg12 : memref<!tpu.dma_semaphore, #tpu.memory_space<semaphore_mem>>)
    %dma_wait3A_91 = arith.constant 9840 : i32
    %dma_wait3A_92 = tpu.memref_slice %arg6[%dma_wait3A_91] : memref<10000xi32, #tpu.memory_space<vmem>> -> memref<80xi32, #tpu.memory_space<vmem>>
    %dma_wait3A_93 = arith.constant 0 : i32
    %dma_wait3A_94 = arith.constant 0 : i32
    %dma_wait3A_95 = tpu.memref_slice %arg2[%dma_wait3A_93, %dma_wait3A_94] : memref<10000x128xf32, #tpu.memory_space<hbm>> -> memref<10000x128xf32, #tpu.memory_space<hbm>>
    tpu.wait_indirect_dma semaphore(%arg11 : memref<!tpu.dma_semaphore, #tpu.memory_space<semaphore_mem>>) src(%dma_wait3A_95 : memref<10000x128xf32, #tpu.memory_space<hbm>>) dst(%arg8 : memref<80x128xf32, #tpu.memory_space<vmem>>)
    %dma_start3A_96 = arith.constant 9840 : i32
    %dma_start3A_97 = tpu.memref_slice %arg7[%dma_start3A_96] : memref<10000xi32, #tpu.memory_space<vmem>> -> memref<80xi32, #tpu.memory_space<vmem>>
    %dma_start3A_98 = arith.constant 0 : i32
    %dma_start3A_99 = arith.constant 0 : i32
    %dma_start3A_100 = tpu.memref_slice %arg17[%dma_start3A_98, %dma_start3A_99] : memref<10000x128xf32, #tpu.memory_space<vmem_shared>> -> memref<10000x128xf32, #tpu.memory_space<vmem_shared>>
    tpu.enqueue_indirect_dma source(%arg8 : memref<80x128xf32, #tpu.memory_space<vmem>>) target(%dma_start3A_100 : memref<10000x128xf32, #tpu.memory_space<vmem_shared>>) offsets(%dma_start3A_97 : memref<80xi32, #tpu.memory_space<vmem>>) semaphore(%arg14 : memref<!tpu.dma_semaphore, #tpu.memory_space<semaphore_mem>>) {add = true}
    %dma_wait3A_101 = arith.constant 9920 : i32
    %dma_wait3A_102 = tpu.memref_slice %arg6[%dma_wait3A_101] : memref<10000xi32, #tpu.memory_space<vmem>> -> memref<80xi32, #tpu.memory_space<vmem>>
    %dma_wait3A_103 = arith.constant 0 : i32
    %dma_wait3A_104 = arith.constant 0 : i32
    %dma_wait3A_105 = tpu.memref_slice %arg2[%dma_wait3A_103, %dma_wait3A_104] : memref<10000x128xf32, #tpu.memory_space<hbm>> -> memref<10000x128xf32, #tpu.memory_space<hbm>>
    tpu.wait_indirect_dma semaphore(%arg12 : memref<!tpu.dma_semaphore, #tpu.memory_space<semaphore_mem>>) src(%dma_wait3A_105 : memref<10000x128xf32, #tpu.memory_space<hbm>>) dst(%arg9 : memref<80x128xf32, #tpu.memory_space<vmem>>)
    %dma_start3A_106 = arith.constant 9920 : i32
    %dma_start3A_107 = tpu.memref_slice %arg7[%dma_start3A_106] : memref<10000xi32, #tpu.memory_space<vmem>> -> memref<80xi32, #tpu.memory_space<vmem>>
    %dma_start3A_108 = arith.constant 0 : i32
    %dma_start3A_109 = arith.constant 0 : i32
    %dma_start3A_110 = tpu.memref_slice %arg17[%dma_start3A_108, %dma_start3A_109] : memref<10000x128xf32, #tpu.memory_space<vmem_shared>> -> memref<10000x128xf32, #tpu.memory_space<vmem_shared>>
    tpu.enqueue_indirect_dma source(%arg9 : memref<80x128xf32, #tpu.memory_space<vmem>>) target(%dma_start3A_110 : memref<10000x128xf32, #tpu.memory_space<vmem_shared>>) offsets(%dma_start3A_107 : memref<80xi32, #tpu.memory_space<vmem>>) semaphore(%arg15 : memref<!tpu.dma_semaphore, #tpu.memory_space<semaphore_mem>>) {add = true}
    %dma_wait3A_111 = arith.constant 0 : i32
    %dma_wait3A_112 = tpu.memref_slice %arg7[%dma_wait3A_111] : memref<10000xi32, #tpu.memory_space<vmem>> -> memref<80xi32, #tpu.memory_space<vmem>>
    %dma_wait3A_113 = arith.constant 0 : i32
    %dma_wait3A_114 = arith.constant 0 : i32
    %dma_wait3A_115 = tpu.memref_slice %arg17[%dma_wait3A_113, %dma_wait3A_114] : memref<10000x128xf32, #tpu.memory_space<vmem_shared>> -> memref<10000x128xf32, #tpu.memory_space<vmem_shared>>
    tpu.wait_indirect_dma semaphore(%arg16 : memref<!tpu.dma_semaphore, #tpu.memory_space<semaphore_mem>>) src(%arg10 : memref<80x128xf32, #tpu.memory_space<vmem>>) dst(%dma_wait3A_115 : memref<10000x128xf32, #tpu.memory_space<vmem_shared>>)
    %dma_wait3A_116 = arith.constant 0 : i32
    %dma_wait3A_117 = tpu.memref_slice %arg7[%dma_wait3A_116] : memref<10000xi32, #tpu.memory_space<vmem>> -> memref<80xi32, #tpu.memory_space<vmem>>
    %dma_wait3A_118 = arith.constant 0 : i32
    %dma_wait3A_119 = arith.constant 0 : i32
    %dma_wait3A_120 = tpu.memref_slice %arg17[%dma_wait3A_118, %dma_wait3A_119] : memref<10000x128xf32, #tpu.memory_space<vmem_shared>> -> memref<10000x128xf32, #tpu.memory_space<vmem_shared>>
    tpu.wait_indirect_dma semaphore(%arg14 : memref<!tpu.dma_semaphore, #tpu.memory_space<semaphore_mem>>) src(%arg8 : memref<80x128xf32, #tpu.memory_space<vmem>>) dst(%dma_wait3A_120 : memref<10000x128xf32, #tpu.memory_space<vmem_shared>>)
    %dma_wait3A_121 = arith.constant 0 : i32
    %dma_wait3A_122 = tpu.memref_slice %arg7[%dma_wait3A_121] : memref<10000xi32, #tpu.memory_space<vmem>> -> memref<80xi32, #tpu.memory_space<vmem>>
    %dma_wait3A_123 = arith.constant 0 : i32
    %dma_wait3A_124 = arith.constant 0 : i32
    %dma_wait3A_125 = tpu.memref_slice %arg17[%dma_wait3A_123, %dma_wait3A_124] : memref<10000x128xf32, #tpu.memory_space<vmem_shared>> -> memref<10000x128xf32, #tpu.memory_space<vmem_shared>>
    tpu.wait_indirect_dma semaphore(%arg15 : memref<!tpu.dma_semaphore, #tpu.memory_space<semaphore_mem>>) src(%arg9 : memref<80x128xf32, #tpu.memory_space<vmem>>) dst(%dma_wait3A_125 : memref<10000x128xf32, #tpu.memory_space<vmem_shared>>)
    %barrier3A_126 = arith.constant 0 : index
    tpu.barrier barrier_id(%barrier3A_126)
    %scan3A_127 = arith.constant 0 : i32
    %scan3A_128 = arith.constant 8 : i32
    %scan3A_129 = arith.addi %scan3A_127, %scan3A_128 : i32
    %scan3A_130 = arith.constant 1 : i32
    scf.for %scan3A_132 = %scan3A_127 to %scan3A_129 step %scan3A_130  : i32 {
      %mul3A_133 = arith.constant 1 : i32
      %mul3A_134 = arith.muli %scan3A_132, %mul3A_133 : i32
      %add3A_135 = arith.constant 0 : i32
      %add3A_136 = arith.addi %add3A_135, %mul3A_134 : i32
      %lt3A_137 = arith.cmpi slt, %add3A_136, %select_n3A : i32
      %convert_element_type3A = arith.extui %lt3A_137 : i1 to i32
      %cond3A = arith.constant 0 : i32
      %cond3A_138 = arith.cmpi ne, %convert_element_type3A, %cond3A : i32
      scf.if %cond3A_138 {
        %mul3A_139 = arith.constant 80 : i32
        %mul3A_140 = arith.muli %add3A_136, %mul3A_139 : i32
        %add3A_141 = arith.addi %sub3A_9, %mul3A_140 : i32
        %mul3A_142 = arith.constant 80 : i32
        %mul3A_143 = arith.muli %add3A_136, %mul3A_142 : i32
        %add3A_144 = arith.addi %sub3A_9, %mul3A_143 : i32
        "tpu.region"() ({
          %run_scoped3A = tpu.sem_alloc : memref<!tpu.dma_semaphore, #tpu.memory_space<semaphore_mem>>
          %dma_start3A_145 = arith.constant 0 : i32
          %dma_start3A_146 = tpu.memref_slice %arg5[%arg0, %add3A_144, %dma_start3A_145] : memref<2x10000x128xf32, #tpu.memory_space<hbm>> -> memref<1x80x128xf32, #tpu.memory_space<hbm>>
          %dma_start3A_147 = tpu.memref_squeeze %dma_start3A_146 : memref<1x80x128xf32, #tpu.memory_space<hbm>> -> memref<80x128xf32, #tpu.memory_space<hbm>>
          %dma_start3A_148 = arith.constant 0 : i32
          %dma_start3A_149 = tpu.memref_slice %arg17[%add3A_141, %dma_start3A_148] : memref<10000x128xf32, #tpu.memory_space<vmem_shared>> -> memref<80x128xf32, #tpu.memory_space<vmem_shared>>
          tpu.enqueue_dma source(%dma_start3A_149 : memref<80x128xf32, #tpu.memory_space<vmem_shared>>) target(%dma_start3A_147 : memref<80x128xf32, #tpu.memory_space<hbm>>) target_semaphore(%run_scoped3A : memref<!tpu.dma_semaphore, #tpu.memory_space<semaphore_mem>>)
          %dma_wait3A_150 = arith.constant 0 : i32
          %dma_wait3A_151 = tpu.memref_slice %arg5[%arg0, %add3A_144, %dma_wait3A_150] : memref<2x10000x128xf32, #tpu.memory_space<hbm>> -> memref<1x80x128xf32, #tpu.memory_space<hbm>>
          %dma_wait3A_152 = tpu.memref_squeeze %dma_wait3A_151 : memref<1x80x128xf32, #tpu.memory_space<hbm>> -> memref<80x128xf32, #tpu.memory_space<hbm>>
          %dma_wait3A_153 = arith.constant 0 : i32
          %dma_wait3A_154 = tpu.memref_slice %arg17[%add3A_141, %dma_wait3A_153] : memref<10000x128xf32, #tpu.memory_space<vmem_shared>> -> memref<80x128xf32, #tpu.memory_space<vmem_shared>>
          tpu.wait_dma2 semaphore(%run_scoped3A : memref<!tpu.dma_semaphore, #tpu.memory_space<semaphore_mem>>) src(%dma_wait3A_154 : memref<80x128xf32, #tpu.memory_space<vmem_shared>>) dst(%dma_wait3A_152 : memref<80x128xf32, #tpu.memory_space<hbm>>)
          tpu.yield
        }) : () -> ()
      } else {
      }
    }
    %scan3A_131 = arith.constant 8 : i32
    return
  }
}

#map = affine_map<(d0, d1) -> (0, 0)>
#map1 = affine_map<(d0, d1) -> (0)>
#map2 = affine_map<(d0, d1) -> (0, 0, 0)>
module attributes {stable_mosaic.version = 14 : i64} {
  func.func @k(%arg0: i32, %arg1: i32, %arg2: memref<10000x128xf32, #tpu.memory_space<hbm>>, %arg3: memref<320000xi32, #tpu.memory_space<hbm>>, %arg4: memref<320000xi32, #tpu.memory_space<hbm>>, %arg5: memref<2x10000x128xf32, #tpu.memory_space<hbm>>, %arg6: memref<10000xi32, #tpu.memory_space<vmem>>, %arg7: memref<10000xi32, #tpu.memory_space<vmem>>, %arg8: memref<80x128xf32, #tpu.memory_space<vmem>>, %arg9: memref<80x128xf32, #tpu.memory_space<vmem>>, %arg10: memref<80x128xf32, #tpu.memory_space<vmem>>, %arg11: memref<!tpu.dma_semaphore, #tpu.memory_space<semaphore_mem>>, %arg12: memref<!tpu.dma_semaphore, #tpu.memory_space<semaphore_mem>>, %arg13: memref<!tpu.dma_semaphore, #tpu.memory_space<semaphore_mem>>, %arg14: memref<!tpu.dma_semaphore, #tpu.memory_space<semaphore_mem>>, %arg15: memref<!tpu.dma_semaphore, #tpu.memory_space<semaphore_mem>>, %arg16: memref<!tpu.dma_semaphore, #tpu.memory_space<semaphore_mem>>, %arg17: memref<10000x128xf32, #tpu.memory_space<vmem_shared>>) attributes {dimension_semantics = [#tpu.dimension_semantics<core_parallel>, #tpu.dimension_semantics<subcore_parallel>], iteration_bounds = array<i64: 2, 16>, scalar_prefetch = 0 : i64, scratch_operands = 12 : i64, tpu.core_type = #tpu.core_type<sc_vector_subcore>, window_params = [{transform_indices = #map}, {transform_indices = #map1}, {transform_indices = #map1}, {transform_indices = #map2}]} {
    %mul3A = arith.constant 2 : i32
    %mul3A_0 = arith.muli %arg1, %mul3A : i32
    %add3A = arith.addi %mul3A_0, %arg0 : i32
    %lt3A = arith.constant 13 : i32
    %lt3A_1 = arith.cmpi slt, %arg1, %lt3A : i32
    %jit3A = arith.constant 8 : i32
    %jit3A_2 = arith.constant 7 : i32
    %select_n3A = arith.select %lt3A_1, %jit3A, %jit3A_2 : i32
    %mul3A_3 = arith.constant 640 : i32
    %mul3A_4 = arith.muli %mul3A_3, %arg1 : i32
    %sub3A = arith.constant 13 : i32
    %sub3A_5 = arith.subi %arg1, %sub3A : i32
    %max3A = arith.constant 0 : i32
    %max3A_6 = arith.maxsi %sub3A_5, %max3A : i32
    %mul3A_7 = arith.constant 80 : i32
    %mul3A_8 = arith.muli %mul3A_7, %max3A_6 : i32
    %sub3A_9 = arith.subi %mul3A_4, %mul3A_8 : i32
    %mul3A_10 = arith.constant 10000 : i32
    %mul3A_11 = arith.muli %add3A, %mul3A_10 : i32
    "tpu.region"() ({
      %run_scoped3A = tpu.sem_alloc : memref<!tpu.dma_semaphore, #tpu.memory_space<semaphore_mem>>
      %dma_start3A_132 = tpu.memref_slice %arg3[%mul3A_11] : memref<320000xi32, #tpu.memory_space<hbm>> -> memref<10000xi32, #tpu.memory_space<hbm>>
      %dma_start3A_133 = tpu.memref_slice %arg3[%mul3A_11] : memref<320000xi32, #tpu.memory_space<hbm>> -> memref<10000xi32, #tpu.memory_space<hbm>>
      tpu.enqueue_dma source(%dma_start3A_133 : memref<10000xi32, #tpu.memory_space<hbm>>) target(%arg6 : memref<10000xi32, #tpu.memory_space<vmem>>) target_semaphore(%run_scoped3A : memref<!tpu.dma_semaphore, #tpu.memory_space<semaphore_mem>>)
      %dma_wait3A_134 = tpu.memref_slice %arg3[%mul3A_11] : memref<320000xi32, #tpu.memory_space<hbm>> -> memref<10000xi32, #tpu.memory_space<hbm>>
      %dma_wait3A_135 = tpu.memref_slice %arg3[%mul3A_11] : memref<320000xi32, #tpu.memory_space<hbm>> -> memref<10000xi32, #tpu.memory_space<hbm>>
      tpu.wait_dma2 semaphore(%run_scoped3A : memref<!tpu.dma_semaphore, #tpu.memory_space<semaphore_mem>>) src(%dma_wait3A_135 : memref<10000xi32, #tpu.memory_space<hbm>>) dst(%arg6 : memref<10000xi32, #tpu.memory_space<vmem>>)
      tpu.yield
    }) : () -> ()
    %mul3A_12 = arith.constant 10000 : i32
    %mul3A_13 = arith.muli %add3A, %mul3A_12 : i32
    "tpu.region"() ({
      %run_scoped3A = tpu.sem_alloc : memref<!tpu.dma_semaphore, #tpu.memory_space<semaphore_mem>>
      %dma_start3A_132 = tpu.memref_slice %arg4[%mul3A_13] : memref<320000xi32, #tpu.memory_space<hbm>> -> memref<10000xi32, #tpu.memory_space<hbm>>
      %dma_start3A_133 = tpu.memref_slice %arg4[%mul3A_13] : memref<320000xi32, #tpu.memory_space<hbm>> -> memref<10000xi32, #tpu.memory_space<hbm>>
      tpu.enqueue_dma source(%dma_start3A_133 : memref<10000xi32, #tpu.memory_space<hbm>>) target(%arg7 : memref<10000xi32, #tpu.memory_space<vmem>>) target_semaphore(%run_scoped3A : memref<!tpu.dma_semaphore, #tpu.memory_space<semaphore_mem>>)
      %dma_wait3A_134 = tpu.memref_slice %arg4[%mul3A_13] : memref<320000xi32, #tpu.memory_space<hbm>> -> memref<10000xi32, #tpu.memory_space<hbm>>
      %dma_wait3A_135 = tpu.memref_slice %arg4[%mul3A_13] : memref<320000xi32, #tpu.memory_space<hbm>> -> memref<10000xi32, #tpu.memory_space<hbm>>
      tpu.wait_dma2 semaphore(%run_scoped3A : memref<!tpu.dma_semaphore, #tpu.memory_space<semaphore_mem>>) src(%dma_wait3A_135 : memref<10000xi32, #tpu.memory_space<hbm>>) dst(%arg7 : memref<10000xi32, #tpu.memory_space<vmem>>)
      tpu.yield
    }) : () -> ()
    %dma_start3A = arith.constant 0 : i32
    %dma_start3A_14 = tpu.memref_slice %arg6[%dma_start3A] : memref<10000xi32, #tpu.memory_space<vmem>> -> memref<80xi32, #tpu.memory_space<vmem>>
    %dma_start3A_15 = arith.constant 0 : i32
    %dma_start3A_16 = arith.constant 0 : i32
    %dma_start3A_17 = tpu.memref_slice %arg2[%dma_start3A_15, %dma_start3A_16] : memref<10000x128xf32, #tpu.memory_space<hbm>> -> memref<10000x128xf32, #tpu.memory_space<hbm>>
    tpu.enqueue_indirect_dma source(%dma_start3A_17 : memref<10000x128xf32, #tpu.memory_space<hbm>>) target(%arg8 : memref<80x128xf32, #tpu.memory_space<vmem>>) offsets(%dma_start3A_14 : memref<80xi32, #tpu.memory_space<vmem>>) semaphore(%arg11 : memref<!tpu.dma_semaphore, #tpu.memory_space<semaphore_mem>>)
    %dma_start3A_18 = arith.constant 80 : i32
    %dma_start3A_19 = tpu.memref_slice %arg6[%dma_start3A_18] : memref<10000xi32, #tpu.memory_space<vmem>> -> memref<80xi32, #tpu.memory_space<vmem>>
    %dma_start3A_20 = arith.constant 0 : i32
    %dma_start3A_21 = arith.constant 0 : i32
    %dma_start3A_22 = tpu.memref_slice %arg2[%dma_start3A_20, %dma_start3A_21] : memref<10000x128xf32, #tpu.memory_space<hbm>> -> memref<10000x128xf32, #tpu.memory_space<hbm>>
    tpu.enqueue_indirect_dma source(%dma_start3A_22 : memref<10000x128xf32, #tpu.memory_space<hbm>>) target(%arg9 : memref<80x128xf32, #tpu.memory_space<vmem>>) offsets(%dma_start3A_19 : memref<80xi32, #tpu.memory_space<vmem>>) semaphore(%arg12 : memref<!tpu.dma_semaphore, #tpu.memory_space<semaphore_mem>>)
    %scan3A = arith.constant 0 : i32
    %scan3A_23 = arith.constant 80 : i32
    %scan3A_24 = arith.addi %scan3A, %scan3A_23 : i32
    %scan3A_25 = arith.constant 1 : i32
    scf.for %scan3A_132 = %scan3A to %scan3A_24 step %scan3A_25  : i32 {
      %mul3A_133 = arith.constant 1 : i32
      %mul3A_134 = arith.muli %scan3A_132, %mul3A_133 : i32
      %add3A_135 = arith.constant 0 : i32
      %add3A_136 = arith.addi %add3A_135, %mul3A_134 : i32
      %scan3A_137 = arith.constant 0 : i32
      %scan3A_138 = arith.constant 8 : i32
      %scan3A_139 = arith.addi %scan3A_137, %scan3A_138 : i32
      %scan3A_140 = arith.constant 1 : i32
      scf.for %scan3A_142 = %scan3A_137 to %scan3A_139 step %scan3A_140  : i32 {
        %mul3A_143 = arith.constant 1 : i32
        %mul3A_144 = arith.muli %scan3A_142, %mul3A_143 : i32
        %add3A_145 = arith.constant 0 : i32
        %add3A_146 = arith.addi %add3A_145, %mul3A_144 : i32
        %broadcast_in_dim3A = arith.constant 0.000000e+00 : f32
        %broadcast_in_dim3A_147 = vector.broadcast %broadcast_in_dim3A : f32 to vector<16xf32>
        %mul3A_148 = arith.constant 16 : i32
        %mul3A_149 = arith.muli %add3A_146, %mul3A_148 : i32
        %swap3A = arith.index_cast %add3A_136 : i32 to index
        %swap3A_150 = arith.index_cast %mul3A_149 : i32 to index
        %swap3A_151 = tpu.vector_load %arg10[%swap3A, %swap3A_150] {strides = array<i32>} : memref<80x128xf32, #tpu.memory_space<vmem>>, vector<1x16xf32>,
        %swap3A_152 = vector.shape_cast %swap3A_151 : vector<1x16xf32> to vector<16xf32>
        %swap3A_153 = vector.shape_cast %broadcast_in_dim3A_147 : vector<16xf32> to vector<1x16xf32>
        tpu.vector_store %arg10[%swap3A, %swap3A_150], %swap3A_153 {strides = array<i32>} : memref<80x128xf32, #tpu.memory_space<vmem>>, vector<1x16xf32>,
      }
      %scan3A_141 = arith.constant 8 : i32
    }
    %scan3A_26 = arith.constant 80 : i32
    %scan3A_27 = arith.constant 0 : i32
    %scan3A_28 = arith.constant 8 : i32
    %scan3A_29 = arith.addi %scan3A_27, %scan3A_28 : i32
    %scan3A_30 = arith.constant 1 : i32
    scf.for %scan3A_132 = %scan3A_27 to %scan3A_29 step %scan3A_30  : i32 {
      %mul3A_133 = arith.constant 1 : i32
      %mul3A_134 = arith.muli %scan3A_132, %mul3A_133 : i32
      %add3A_135 = arith.constant 0 : i32
      %add3A_136 = arith.addi %add3A_135, %mul3A_134 : i32
      %lt3A_137 = arith.cmpi slt, %add3A_136, %select_n3A : i32
      %convert_element_type3A = arith.extui %lt3A_137 : i1 to i32
      %cond3A = arith.constant 0 : i32
      %cond3A_138 = arith.cmpi ne, %convert_element_type3A, %cond3A : i32
      scf.if %cond3A_138 {
        %mul3A_139 = arith.constant 80 : i32
        %mul3A_140 = arith.muli %add3A_136, %mul3A_139 : i32
        %add3A_141 = arith.addi %sub3A_9, %mul3A_140 : i32
        "tpu.region"() ({
          %run_scoped3A = tpu.sem_alloc : memref<!tpu.dma_semaphore, #tpu.memory_space<semaphore_mem>>
          %dma_start3A_142 = arith.constant 0 : i32
          %dma_start3A_143 = tpu.memref_slice %arg17[%add3A_141, %dma_start3A_142] : memref<10000x128xf32, #tpu.memory_space<vmem_shared>> -> memref<80x128xf32, #tpu.memory_space<vmem_shared>>
          %dma_start3A_144 = arith.constant 0 : i32
          %dma_start3A_145 = tpu.memref_slice %arg17[%add3A_141, %dma_start3A_144] : memref<10000x128xf32, #tpu.memory_space<vmem_shared>> -> memref<80x128xf32, #tpu.memory_space<vmem_shared>>
          tpu.enqueue_dma source(%arg10 : memref<80x128xf32, #tpu.memory_space<vmem>>) target(%dma_start3A_145 : memref<80x128xf32, #tpu.memory_space<vmem_shared>>) target_semaphore(%run_scoped3A : memref<!tpu.dma_semaphore, #tpu.memory_space<semaphore_mem>>)
          %dma_wait3A_146 = arith.constant 0 : i32
          %dma_wait3A_147 = tpu.memref_slice %arg17[%add3A_141, %dma_wait3A_146] : memref<10000x128xf32, #tpu.memory_space<vmem_shared>> -> memref<80x128xf32, #tpu.memory_space<vmem_shared>>
          %dma_wait3A_148 = arith.constant 0 : i32
          %dma_wait3A_149 = tpu.memref_slice %arg17[%add3A_141, %dma_wait3A_148] : memref<10000x128xf32, #tpu.memory_space<vmem_shared>> -> memref<80x128xf32, #tpu.memory_space<vmem_shared>>
          tpu.wait_dma2 semaphore(%run_scoped3A : memref<!tpu.dma_semaphore, #tpu.memory_space<semaphore_mem>>) src(%arg10 : memref<80x128xf32, #tpu.memory_space<vmem>>) dst(%dma_wait3A_149 : memref<80x128xf32, #tpu.memory_space<vmem_shared>>)
          tpu.yield
        }) : () -> ()
      } else {
      }
    }
    %scan3A_31 = arith.constant 8 : i32
    %barrier3A = arith.constant 0 : index
    tpu.barrier barrier_id(%barrier3A)
    %dma_wait3A = arith.constant 0 : i32
    %dma_wait3A_32 = tpu.memref_slice %arg6[%dma_wait3A] : memref<10000xi32, #tpu.memory_space<vmem>> -> memref<80xi32, #tpu.memory_space<vmem>>
    %dma_wait3A_33 = arith.constant 0 : i32
    %dma_wait3A_34 = arith.constant 0 : i32
    %dma_wait3A_35 = tpu.memref_slice %arg2[%dma_wait3A_33, %dma_wait3A_34] : memref<10000x128xf32, #tpu.memory_space<hbm>> -> memref<10000x128xf32, #tpu.memory_space<hbm>>
    tpu.wait_indirect_dma semaphore(%arg11 : memref<!tpu.dma_semaphore, #tpu.memory_space<semaphore_mem>>) src(%dma_wait3A_35 : memref<10000x128xf32, #tpu.memory_space<hbm>>) dst(%arg8 : memref<80x128xf32, #tpu.memory_space<vmem>>)
    %dma_start3A_36 = arith.constant 0 : i32
    %dma_start3A_37 = tpu.memref_slice %arg7[%dma_start3A_36] : memref<10000xi32, #tpu.memory_space<vmem>> -> memref<80xi32, #tpu.memory_space<vmem>>
    %dma_start3A_38 = arith.constant 0 : i32
    %dma_start3A_39 = arith.constant 0 : i32
    %dma_start3A_40 = tpu.memref_slice %arg17[%dma_start3A_38, %dma_start3A_39] : memref<10000x128xf32, #tpu.memory_space<vmem_shared>> -> memref<10000x128xf32, #tpu.memory_space<vmem_shared>>
    tpu.enqueue_indirect_dma source(%arg8 : memref<80x128xf32, #tpu.memory_space<vmem>>) target(%dma_start3A_40 : memref<10000x128xf32, #tpu.memory_space<vmem_shared>>) offsets(%dma_start3A_37 : memref<80xi32, #tpu.memory_space<vmem>>) semaphore(%arg14 : memref<!tpu.dma_semaphore, #tpu.memory_space<semaphore_mem>>) {add = true}
    %dma_start3A_41 = arith.constant 160 : i32
    %dma_start3A_42 = tpu.memref_slice %arg6[%dma_start3A_41] : memref<10000xi32, #tpu.memory_space<vmem>> -> memref<80xi32, #tpu.memory_space<vmem>>
    %dma_start3A_43 = arith.constant 0 : i32
    %dma_start3A_44 = arith.constant 0 : i32
    %dma_start3A_45 = tpu.memref_slice %arg2[%dma_start3A_43, %dma_start3A_44] : memref<10000x128xf32, #tpu.memory_space<hbm>> -> memref<10000x128xf32, #tpu.memory_space<hbm>>
    tpu.enqueue_indirect_dma source(%dma_start3A_45 : memref<10000x128xf32, #tpu.memory_space<hbm>>) target(%arg10 : memref<80x128xf32, #tpu.memory_space<vmem>>) offsets(%dma_start3A_42 : memref<80xi32, #tpu.memory_space<vmem>>) semaphore(%arg13 : memref<!tpu.dma_semaphore, #tpu.memory_space<semaphore_mem>>)
    %scan3A_46 = arith.constant 0 : i32
    %scan3A_47 = arith.constant 40 : i32
    %scan3A_48 = arith.addi %scan3A_46, %scan3A_47 : i32
    %scan3A_49 = arith.constant 1 : i32
    scf.for %scan3A_132 = %scan3A_46 to %scan3A_48 step %scan3A_49  : i32 {
      %mul3A_133 = arith.constant 1 : i32
      %mul3A_134 = arith.muli %scan3A_132, %mul3A_133 : i32
      %add3A_135 = arith.constant 0 : i32
      %add3A_136 = arith.addi %add3A_135, %mul3A_134 : i32
      %mul3A_137 = arith.constant 3 : i32
      %mul3A_138 = arith.muli %add3A_136, %mul3A_137 : i32
      %add3A_139 = arith.constant 1 : i32
      %add3A_140 = arith.addi %mul3A_138, %add3A_139 : i32
      %add3A_141 = arith.constant 0 : i32
      %add3A_142 = arith.addi %add3A_140, %add3A_141 : i32
      %mul3A_143 = arith.constant 80 : i32
      %mul3A_144 = arith.muli %add3A_142, %mul3A_143 : i32
      %dma_wait3A_145 = tpu.memref_slice %arg6[%mul3A_144] : memref<10000xi32, #tpu.memory_space<vmem>> -> memref<80xi32, #tpu.memory_space<vmem>>
      %dma_wait3A_146 = arith.constant 0 : i32
      %dma_wait3A_147 = arith.constant 0 : i32
      %dma_wait3A_148 = tpu.memref_slice %arg2[%dma_wait3A_146, %dma_wait3A_147] : memref<10000x128xf32, #tpu.memory_space<hbm>> -> memref<10000x128xf32, #tpu.memory_space<hbm>>
      tpu.wait_indirect_dma semaphore(%arg12 : memref<!tpu.dma_semaphore, #tpu.memory_space<semaphore_mem>>) src(%dma_wait3A_148 : memref<10000x128xf32, #tpu.memory_space<hbm>>) dst(%arg9 : memref<80x128xf32, #tpu.memory_space<vmem>>)
      %mul3A_149 = arith.constant 80 : i32
      %mul3A_150 = arith.muli %add3A_142, %mul3A_149 : i32
      %dma_start3A_151 = tpu.memref_slice %arg7[%mul3A_150] : memref<10000xi32, #tpu.memory_space<vmem>> -> memref<80xi32, #tpu.memory_space<vmem>>
      %dma_start3A_152 = arith.constant 0 : i32
      %dma_start3A_153 = arith.constant 0 : i32
      %dma_start3A_154 = tpu.memref_slice %arg17[%dma_start3A_152, %dma_start3A_153] : memref<10000x128xf32, #tpu.memory_space<vmem_shared>> -> memref<10000x128xf32, #tpu.memory_space<vmem_shared>>
      tpu.enqueue_indirect_dma source(%arg9 : memref<80x128xf32, #tpu.memory_space<vmem>>) target(%dma_start3A_154 : memref<10000x128xf32, #tpu.memory_space<vmem_shared>>) offsets(%dma_start3A_151 : memref<80xi32, #tpu.memory_space<vmem>>) semaphore(%arg15 : memref<!tpu.dma_semaphore, #tpu.memory_space<semaphore_mem>>) {add = true}
      %mul3A_155 = arith.constant 80 : i32
      %mul3A_156 = arith.muli %add3A_142, %mul3A_155 : i32
      %dma_wait3A_157 = tpu.memref_slice %arg7[%mul3A_156] : memref<10000xi32, #tpu.memory_space<vmem>> -> memref<80xi32, #tpu.memory_space<vmem>>
      %dma_wait3A_158 = arith.constant 0 : i32
      %dma_wait3A_159 = arith.constant 0 : i32
      %dma_wait3A_160 = tpu.memref_slice %arg17[%dma_wait3A_158, %dma_wait3A_159] : memref<10000x128xf32, #tpu.memory_space<vmem_shared>> -> memref<10000x128xf32, #tpu.memory_space<vmem_shared>>
      tpu.wait_indirect_dma semaphore(%arg14 : memref<!tpu.dma_semaphore, #tpu.memory_space<semaphore_mem>>) src(%arg8 : memref<80x128xf32, #tpu.memory_space<vmem>>) dst(%dma_wait3A_160 : memref<10000x128xf32, #tpu.memory_space<vmem_shared>>)
      %add3A_161 = arith.constant 2 : i32
      %add3A_162 = arith.addi %add3A_142, %add3A_161 : i32
      %mul3A_163 = arith.constant 80 : i32
      %mul3A_164 = arith.muli %add3A_162, %mul3A_163 : i32
      %dma_start3A_165 = tpu.memref_slice %arg6[%mul3A_164] : memref<10000xi32, #tpu.memory_space<vmem>> -> memref<80xi32, #tpu.memory_space<vmem>>
      %dma_start3A_166 = arith.constant 0 : i32
      %dma_start3A_167 = arith.constant 0 : i32
      %dma_start3A_168 = tpu.memref_slice %arg2[%dma_start3A_166, %dma_start3A_167] : memref<10000x128xf32, #tpu.memory_space<hbm>> -> memref<10000x128xf32, #tpu.memory_space<hbm>>
      tpu.enqueue_indirect_dma source(%dma_start3A_168 : memref<10000x128xf32, #tpu.memory_space<hbm>>) target(%arg8 : memref<80x128xf32, #tpu.memory_space<vmem>>) offsets(%dma_start3A_165 : memref<80xi32, #tpu.memory_space<vmem>>) semaphore(%arg11 : memref<!tpu.dma_semaphore, #tpu.memory_space<semaphore_mem>>)
      %mul3A_169 = arith.constant 3 : i32
      %mul3A_170 = arith.muli %add3A_136, %mul3A_169 : i32
      %add3A_171 = arith.constant 1 : i32
      %add3A_172 = arith.addi %mul3A_170, %add3A_171 : i32
      %add3A_173 = arith.constant 1 : i32
      %add3A_174 = arith.addi %add3A_172, %add3A_173 : i32
      %mul3A_175 = arith.constant 80 : i32
      %mul3A_176 = arith.muli %add3A_174, %mul3A_175 : i32
      %dma_wait3A_177 = tpu.memref_slice %arg6[%mul3A_176] : memref<10000xi32, #tpu.memory_space<vmem>> -> memref<80xi32, #tpu.memory_space<vmem>>
      %dma_wait3A_178 = arith.constant 0 : i32
      %dma_wait3A_179 = arith.constant 0 : i32
      %dma_wait3A_180 = tpu.memref_slice %arg2[%dma_wait3A_178, %dma_wait3A_179] : memref<10000x128xf32, #tpu.memory_space<hbm>> -> memref<10000x128xf32, #tpu.memory_space<hbm>>
      tpu.wait_indirect_dma semaphore(%arg13 : memref<!tpu.dma_semaphore, #tpu.memory_space<semaphore_mem>>) src(%dma_wait3A_180 : memref<10000x128xf32, #tpu.memory_space<hbm>>) dst(%arg10 : memref<80x128xf32, #tpu.memory_space<vmem>>)
      %mul3A_181 = arith.constant 80 : i32
      %mul3A_182 = arith.muli %add3A_174, %mul3A_181 : i32
      %dma_start3A_183 = tpu.memref_slice %arg7[%mul3A_182] : memref<10000xi32, #tpu.memory_space<vmem>> -> memref<80xi32, #tpu.memory_space<vmem>>
      %dma_start3A_184 = arith.constant 0 : i32
      %dma_start3A_185 = arith.constant 0 : i32
      %dma_start3A_186 = tpu.memref_slice %arg17[%dma_start3A_184, %dma_start3A_185] : memref<10000x128xf32, #tpu.memory_space<vmem_shared>> -> memref<10000x128xf32, #tpu.memory_space<vmem_shared>>
      tpu.enqueue_indirect_dma source(%arg10 : memref<80x128xf32, #tpu.memory_space<vmem>>) target(%dma_start3A_186 : memref<10000x128xf32, #tpu.memory_space<vmem_shared>>) offsets(%dma_start3A_183 : memref<80xi32, #tpu.memory_space<vmem>>) semaphore(%arg16 : memref<!tpu.dma_semaphore, #tpu.memory_space<semaphore_mem>>) {add = true}
      %mul3A_187 = arith.constant 80 : i32
      %mul3A_188 = arith.muli %add3A_174, %mul3A_187 : i32
      %dma_wait3A_189 = tpu.memref_slice %arg7[%mul3A_188] : memref<10000xi32, #tpu.memory_space<vmem>> -> memref<80xi32, #tpu.memory_space<vmem>>
      %dma_wait3A_190 = arith.constant 0 : i32
      %dma_wait3A_191 = arith.constant 0 : i32
      %dma_wait3A_192 = tpu.memref_slice %arg17[%dma_wait3A_190, %dma_wait3A_191] : memref<10000x128xf32, #tpu.memory_space<vmem_shared>> -> memref<10000x128xf32, #tpu.memory_space<vmem_shared>>
      tpu.wait_indirect_dma semaphore(%arg15 : memref<!tpu.dma_semaphore, #tpu.memory_space<semaphore_mem>>) src(%arg9 : memref<80x128xf32, #tpu.memory_space<vmem>>) dst(%dma_wait3A_192 : memref<10000x128xf32, #tpu.memory_space<vmem_shared>>)
      %add3A_193 = arith.constant 2 : i32
      %add3A_194 = arith.addi %add3A_174, %add3A_193 : i32
      %mul3A_195 = arith.constant 80 : i32
      %mul3A_196 = arith.muli %add3A_194, %mul3A_195 : i32
      %dma_start3A_197 = tpu.memref_slice %arg6[%mul3A_196] : memref<10000xi32, #tpu.memory_space<vmem>> -> memref<80xi32, #tpu.memory_space<vmem>>
      %dma_start3A_198 = arith.constant 0 : i32
      %dma_start3A_199 = arith.constant 0 : i32
      %dma_start3A_200 = tpu.memref_slice %arg2[%dma_start3A_198, %dma_start3A_199] : memref<10000x128xf32, #tpu.memory_space<hbm>> -> memref<10000x128xf32, #tpu.memory_space<hbm>>
      tpu.enqueue_indirect_dma source(%dma_start3A_200 : memref<10000x128xf32, #tpu.memory_space<hbm>>) target(%arg9 : memref<80x128xf32, #tpu.memory_space<vmem>>) offsets(%dma_start3A_197 : memref<80xi32, #tpu.memory_space<vmem>>) semaphore(%arg12 : memref<!tpu.dma_semaphore, #tpu.memory_space<semaphore_mem>>)
      %mul3A_201 = arith.constant 3 : i32
      %mul3A_202 = arith.muli %add3A_136, %mul3A_201 : i32
      %add3A_203 = arith.constant 1 : i32
      %add3A_204 = arith.addi %mul3A_202, %add3A_203 : i32
      %add3A_205 = arith.constant 2 : i32
      %add3A_206 = arith.addi %add3A_204, %add3A_205 : i32
      %mul3A_207 = arith.constant 80 : i32
      %mul3A_208 = arith.muli %add3A_206, %mul3A_207 : i32
      %dma_wait3A_209 = tpu.memref_slice %arg6[%mul3A_208] : memref<10000xi32, #tpu.memory_space<vmem>> -> memref<80xi32, #tpu.memory_space<vmem>>
      %dma_wait3A_210 = arith.constant 0 : i32
      %dma_wait3A_211 = arith.constant 0 : i32
      %dma_wait3A_212 = tpu.memref_slice %arg2[%dma_wait3A_210, %dma_wait3A_211] : memref<10000x128xf32, #tpu.memory_space<hbm>> -> memref<10000x128xf32, #tpu.memory_space<hbm>>
      tpu.wait_indirect_dma semaphore(%arg11 : memref<!tpu.dma_semaphore, #tpu.memory_space<semaphore_mem>>) src(%dma_wait3A_212 : memref<10000x128xf32, #tpu.memory_space<hbm>>) dst(%arg8 : memref<80x128xf32, #tpu.memory_space<vmem>>)
      %mul3A_213 = arith.constant 80 : i32
      %mul3A_214 = arith.muli %add3A_206, %mul3A_213 : i32
      %dma_start3A_215 = tpu.memref_slice %arg7[%mul3A_214] : memref<10000xi32, #tpu.memory_space<vmem>> -> memref<80xi32, #tpu.memory_space<vmem>>
      %dma_start3A_216 = arith.constant 0 : i32
      %dma_start3A_217 = arith.constant 0 : i32
      %dma_start3A_218 = tpu.memref_slice %arg17[%dma_start3A_216, %dma_start3A_217] : memref<10000x128xf32, #tpu.memory_space<vmem_shared>> -> memref<10000x128xf32, #tpu.memory_space<vmem_shared>>
      tpu.enqueue_indirect_dma source(%arg8 : memref<80x128xf32, #tpu.memory_space<vmem>>) target(%dma_start3A_218 : memref<10000x128xf32, #tpu.memory_space<vmem_shared>>) offsets(%dma_start3A_215 : memref<80xi32, #tpu.memory_space<vmem>>) semaphore(%arg14 : memref<!tpu.dma_semaphore, #tpu.memory_space<semaphore_mem>>) {add = true}
      %mul3A_219 = arith.constant 80 : i32
      %mul3A_220 = arith.muli %add3A_206, %mul3A_219 : i32
      %dma_wait3A_221 = tpu.memref_slice %arg7[%mul3A_220] : memref<10000xi32, #tpu.memory_space<vmem>> -> memref<80xi32, #tpu.memory_space<vmem>>
      %dma_wait3A_222 = arith.constant 0 : i32
      %dma_wait3A_223 = arith.constant 0 : i32
      %dma_wait3A_224 = tpu.memref_slice %arg17[%dma_wait3A_222, %dma_wait3A_223] : memref<10000x128xf32, #tpu.memory_space<vmem_shared>> -> memref<10000x128xf32, #tpu.memory_space<vmem_shared>>
      tpu.wait_indirect_dma semaphore(%arg16 : memref<!tpu.dma_semaphore, #tpu.memory_space<semaphore_mem>>) src(%arg10 : memref<80x128xf32, #tpu.memory_space<vmem>>) dst(%dma_wait3A_224 : memref<10000x128xf32, #tpu.memory_space<vmem_shared>>)
      %add3A_225 = arith.constant 2 : i32
      %add3A_226 = arith.addi %add3A_206, %add3A_225 : i32
      %mul3A_227 = arith.constant 80 : i32
      %mul3A_228 = arith.muli %add3A_226, %mul3A_227 : i32
      %dma_start3A_229 = tpu.memref_slice %arg6[%mul3A_228] : memref<10000xi32, #tpu.memory_space<vmem>> -> memref<80xi32, #tpu.memory_space<vmem>>
      %dma_start3A_230 = arith.constant 0 : i32
      %dma_start3A_231 = arith.constant 0 : i32
      %dma_start3A_232 = tpu.memref_slice %arg2[%dma_start3A_230, %dma_start3A_231] : memref<10000x128xf32, #tpu.memory_space<hbm>> -> memref<10000x128xf32, #tpu.memory_space<hbm>>
      tpu.enqueue_indirect_dma source(%dma_start3A_232 : memref<10000x128xf32, #tpu.memory_space<hbm>>) target(%arg10 : memref<80x128xf32, #tpu.memory_space<vmem>>) offsets(%dma_start3A_229 : memref<80xi32, #tpu.memory_space<vmem>>) semaphore(%arg13 : memref<!tpu.dma_semaphore, #tpu.memory_space<semaphore_mem>>)
    }
    %scan3A_50 = arith.constant 40 : i32
    %dma_wait3A_51 = arith.constant 9680 : i32
    %dma_wait3A_52 = tpu.memref_slice %arg6[%dma_wait3A_51] : memref<10000xi32, #tpu.memory_space<vmem>> -> memref<80xi32, #tpu.memory_space<vmem>>
    %dma_wait3A_53 = arith.constant 0 : i32
    %dma_wait3A_54 = arith.constant 0 : i32
    %dma_wait3A_55 = tpu.memref_slice %arg2[%dma_wait3A_53, %dma_wait3A_54] : memref<10000x128xf32, #tpu.memory_space<hbm>> -> memref<10000x128xf32, #tpu.memory_space<hbm>>
    tpu.wait_indirect_dma semaphore(%arg12 : memref<!tpu.dma_semaphore, #tpu.memory_space<semaphore_mem>>) src(%dma_wait3A_55 : memref<10000x128xf32, #tpu.memory_space<hbm>>) dst(%arg9 : memref<80x128xf32, #tpu.memory_space<vmem>>)
    %dma_start3A_56 = arith.constant 9680 : i32
    %dma_start3A_57 = tpu.memref_slice %arg7[%dma_start3A_56] : memref<10000xi32, #tpu.memory_space<vmem>> -> memref<80xi32, #tpu.memory_space<vmem>>
    %dma_start3A_58 = arith.constant 0 : i32
    %dma_start3A_59 = arith.constant 0 : i32
    %dma_start3A_60 = tpu.memref_slice %arg17[%dma_start3A_58, %dma_start3A_59] : memref<10000x128xf32, #tpu.memory_space<vmem_shared>> -> memref<10000x128xf32, #tpu.memory_space<vmem_shared>>
    tpu.enqueue_indirect_dma source(%arg9 : memref<80x128xf32, #tpu.memory_space<vmem>>) target(%dma_start3A_60 : memref<10000x128xf32, #tpu.memory_space<vmem_shared>>) offsets(%dma_start3A_57 : memref<80xi32, #tpu.memory_space<vmem>>) semaphore(%arg15 : memref<!tpu.dma_semaphore, #tpu.memory_space<semaphore_mem>>) {add = true}
    %dma_wait3A_61 = arith.constant 9680 : i32
    %dma_wait3A_62 = tpu.memref_slice %arg7[%dma_wait3A_61] : memref<10000xi32, #tpu.memory_space<vmem>> -> memref<80xi32, #tpu.memory_space<vmem>>
    %dma_wait3A_63 = arith.constant 0 : i32
    %dma_wait3A_64 = arith.constant 0 : i32
    %dma_wait3A_65 = tpu.memref_slice %arg17[%dma_wait3A_63, %dma_wait3A_64] : memref<10000x128xf32, #tpu.memory_space<vmem_shared>> -> memref<10000x128xf32, #tpu.memory_space<vmem_shared>>
    tpu.wait_indirect_dma semaphore(%arg14 : memref<!tpu.dma_semaphore, #tpu.memory_space<semaphore_mem>>) src(%arg8 : memref<80x128xf32, #tpu.memory_space<vmem>>) dst(%dma_wait3A_65 : memref<10000x128xf32, #tpu.memory_space<vmem_shared>>)
    %dma_start3A_66 = arith.constant 9840 : i32
    %dma_start3A_67 = tpu.memref_slice %arg6[%dma_start3A_66] : memref<10000xi32, #tpu.memory_space<vmem>> -> memref<80xi32, #tpu.memory_space<vmem>>
    %dma_start3A_68 = arith.constant 0 : i32
    %dma_start3A_69 = arith.constant 0 : i32
    %dma_start3A_70 = tpu.memref_slice %arg2[%dma_start3A_68, %dma_start3A_69] : memref<10000x128xf32, #tpu.memory_space<hbm>> -> memref<10000x128xf32, #tpu.memory_space<hbm>>
    tpu.enqueue_indirect_dma source(%dma_start3A_70 : memref<10000x128xf32, #tpu.memory_space<hbm>>) target(%arg8 : memref<80x128xf32, #tpu.memory_space<vmem>>) offsets(%dma_start3A_67 : memref<80xi32, #tpu.memory_space<vmem>>) semaphore(%arg11 : memref<!tpu.dma_semaphore, #tpu.memory_space<semaphore_mem>>)
    %dma_wait3A_71 = arith.constant 9760 : i32
    %dma_wait3A_72 = tpu.memref_slice %arg6[%dma_wait3A_71] : memref<10000xi32, #tpu.memory_space<vmem>> -> memref<80xi32, #tpu.memory_space<vmem>>
    %dma_wait3A_73 = arith.constant 0 : i32
    %dma_wait3A_74 = arith.constant 0 : i32
    %dma_wait3A_75 = tpu.memref_slice %arg2[%dma_wait3A_73, %dma_wait3A_74] : memref<10000x128xf32, #tpu.memory_space<hbm>> -> memref<10000x128xf32, #tpu.memory_space<hbm>>
    tpu.wait_indirect_dma semaphore(%arg13 : memref<!tpu.dma_semaphore, #tpu.memory_space<semaphore_mem>>) src(%dma_wait3A_75 : memref<10000x128xf32, #tpu.memory_space<hbm>>) dst(%arg10 : memref<80x128xf32, #tpu.memory_space<vmem>>)
    %dma_start3A_76 = arith.constant 9760 : i32
    %dma_start3A_77 = tpu.memref_slice %arg7[%dma_start3A_76] : memref<10000xi32, #tpu.memory_space<vmem>> -> memref<80xi32, #tpu.memory_space<vmem>>
    %dma_start3A_78 = arith.constant 0 : i32
    %dma_start3A_79 = arith.constant 0 : i32
    %dma_start3A_80 = tpu.memref_slice %arg17[%dma_start3A_78, %dma_start3A_79] : memref<10000x128xf32, #tpu.memory_space<vmem_shared>> -> memref<10000x128xf32, #tpu.memory_space<vmem_shared>>
    tpu.enqueue_indirect_dma source(%arg10 : memref<80x128xf32, #tpu.memory_space<vmem>>) target(%dma_start3A_80 : memref<10000x128xf32, #tpu.memory_space<vmem_shared>>) offsets(%dma_start3A_77 : memref<80xi32, #tpu.memory_space<vmem>>) semaphore(%arg16 : memref<!tpu.dma_semaphore, #tpu.memory_space<semaphore_mem>>) {add = true}
    %dma_wait3A_81 = arith.constant 9760 : i32
    %dma_wait3A_82 = tpu.memref_slice %arg7[%dma_wait3A_81] : memref<10000xi32, #tpu.memory_space<vmem>> -> memref<80xi32, #tpu.memory_space<vmem>>
    %dma_wait3A_83 = arith.constant 0 : i32
    %dma_wait3A_84 = arith.constant 0 : i32
    %dma_wait3A_85 = tpu.memref_slice %arg17[%dma_wait3A_83, %dma_wait3A_84] : memref<10000x128xf32, #tpu.memory_space<vmem_shared>> -> memref<10000x128xf32, #tpu.memory_space<vmem_shared>>
    tpu.wait_indirect_dma semaphore(%arg15 : memref<!tpu.dma_semaphore, #tpu.memory_space<semaphore_mem>>) src(%arg9 : memref<80x128xf32, #tpu.memory_space<vmem>>) dst(%dma_wait3A_85 : memref<10000x128xf32, #tpu.memory_space<vmem_shared>>)
    %dma_start3A_86 = arith.constant 9920 : i32
    %dma_start3A_87 = tpu.memref_slice %arg6[%dma_start3A_86] : memref<10000xi32, #tpu.memory_space<vmem>> -> memref<80xi32, #tpu.memory_space<vmem>>
    %dma_start3A_88 = arith.constant 0 : i32
    %dma_start3A_89 = arith.constant 0 : i32
    %dma_start3A_90 = tpu.memref_slice %arg2[%dma_start3A_88, %dma_start3A_89] : memref<10000x128xf32, #tpu.memory_space<hbm>> -> memref<10000x128xf32, #tpu.memory_space<hbm>>
    tpu.enqueue_indirect_dma source(%dma_start3A_90 : memref<10000x128xf32, #tpu.memory_space<hbm>>) target(%arg9 : memref<80x128xf32, #tpu.memory_space<vmem>>) offsets(%dma_start3A_87 : memref<80xi32, #tpu.memory_space<vmem>>) semaphore(%arg12 : memref<!tpu.dma_semaphore, #tpu.memory_space<semaphore_mem>>)
    %dma_wait3A_91 = arith.constant 9840 : i32
    %dma_wait3A_92 = tpu.memref_slice %arg6[%dma_wait3A_91] : memref<10000xi32, #tpu.memory_space<vmem>> -> memref<80xi32, #tpu.memory_space<vmem>>
    %dma_wait3A_93 = arith.constant 0 : i32
    %dma_wait3A_94 = arith.constant 0 : i32
    %dma_wait3A_95 = tpu.memref_slice %arg2[%dma_wait3A_93, %dma_wait3A_94] : memref<10000x128xf32, #tpu.memory_space<hbm>> -> memref<10000x128xf32, #tpu.memory_space<hbm>>
    tpu.wait_indirect_dma semaphore(%arg11 : memref<!tpu.dma_semaphore, #tpu.memory_space<semaphore_mem>>) src(%dma_wait3A_95 : memref<10000x128xf32, #tpu.memory_space<hbm>>) dst(%arg8 : memref<80x128xf32, #tpu.memory_space<vmem>>)
    %dma_start3A_96 = arith.constant 9840 : i32
    %dma_start3A_97 = tpu.memref_slice %arg7[%dma_start3A_96] : memref<10000xi32, #tpu.memory_space<vmem>> -> memref<80xi32, #tpu.memory_space<vmem>>
    %dma_start3A_98 = arith.constant 0 : i32
    %dma_start3A_99 = arith.constant 0 : i32
    %dma_start3A_100 = tpu.memref_slice %arg17[%dma_start3A_98, %dma_start3A_99] : memref<10000x128xf32, #tpu.memory_space<vmem_shared>> -> memref<10000x128xf32, #tpu.memory_space<vmem_shared>>
    tpu.enqueue_indirect_dma source(%arg8 : memref<80x128xf32, #tpu.memory_space<vmem>>) target(%dma_start3A_100 : memref<10000x128xf32, #tpu.memory_space<vmem_shared>>) offsets(%dma_start3A_97 : memref<80xi32, #tpu.memory_space<vmem>>) semaphore(%arg14 : memref<!tpu.dma_semaphore, #tpu.memory_space<semaphore_mem>>) {add = true}
    %dma_wait3A_101 = arith.constant 9920 : i32
    %dma_wait3A_102 = tpu.memref_slice %arg6[%dma_wait3A_101] : memref<10000xi32, #tpu.memory_space<vmem>> -> memref<80xi32, #tpu.memory_space<vmem>>
    %dma_wait3A_103 = arith.constant 0 : i32
    %dma_wait3A_104 = arith.constant 0 : i32
    %dma_wait3A_105 = tpu.memref_slice %arg2[%dma_wait3A_103, %dma_wait3A_104] : memref<10000x128xf32, #tpu.memory_space<hbm>> -> memref<10000x128xf32, #tpu.memory_space<hbm>>
    tpu.wait_indirect_dma semaphore(%arg12 : memref<!tpu.dma_semaphore, #tpu.memory_space<semaphore_mem>>) src(%dma_wait3A_105 : memref<10000x128xf32, #tpu.memory_space<hbm>>) dst(%arg9 : memref<80x128xf32, #tpu.memory_space<vmem>>)
    %dma_start3A_106 = arith.constant 9920 : i32
    %dma_start3A_107 = tpu.memref_slice %arg7[%dma_start3A_106] : memref<10000xi32, #tpu.memory_space<vmem>> -> memref<80xi32, #tpu.memory_space<vmem>>
    %dma_start3A_108 = arith.constant 0 : i32
    %dma_start3A_109 = arith.constant 0 : i32
    %dma_start3A_110 = tpu.memref_slice %arg17[%dma_start3A_108, %dma_start3A_109] : memref<10000x128xf32, #tpu.memory_space<vmem_shared>> -> memref<10000x128xf32, #tpu.memory_space<vmem_shared>>
    tpu.enqueue_indirect_dma source(%arg9 : memref<80x128xf32, #tpu.memory_space<vmem>>) target(%dma_start3A_110 : memref<10000x128xf32, #tpu.memory_space<vmem_shared>>) offsets(%dma_start3A_107 : memref<80xi32, #tpu.memory_space<vmem>>) semaphore(%arg15 : memref<!tpu.dma_semaphore, #tpu.memory_space<semaphore_mem>>) {add = true}
    %dma_wait3A_111 = arith.constant 0 : i32
    %dma_wait3A_112 = tpu.memref_slice %arg7[%dma_wait3A_111] : memref<10000xi32, #tpu.memory_space<vmem>> -> memref<80xi32, #tpu.memory_space<vmem>>
    %dma_wait3A_113 = arith.constant 0 : i32
    %dma_wait3A_114 = arith.constant 0 : i32
    %dma_wait3A_115 = tpu.memref_slice %arg17[%dma_wait3A_113, %dma_wait3A_114] : memref<10000x128xf32, #tpu.memory_space<vmem_shared>> -> memref<10000x128xf32, #tpu.memory_space<vmem_shared>>
    tpu.wait_indirect_dma semaphore(%arg16 : memref<!tpu.dma_semaphore, #tpu.memory_space<semaphore_mem>>) src(%arg10 : memref<80x128xf32, #tpu.memory_space<vmem>>) dst(%dma_wait3A_115 : memref<10000x128xf32, #tpu.memory_space<vmem_shared>>)
    %dma_wait3A_116 = arith.constant 0 : i32
    %dma_wait3A_117 = tpu.memref_slice %arg7[%dma_wait3A_116] : memref<10000xi32, #tpu.memory_space<vmem>> -> memref<80xi32, #tpu.memory_space<vmem>>
    %dma_wait3A_118 = arith.constant 0 : i32
    %dma_wait3A_119 = arith.constant 0 : i32
    %dma_wait3A_120 = tpu.memref_slice %arg17[%dma_wait3A_118, %dma_wait3A_119] : memref<10000x128xf32, #tpu.memory_space<vmem_shared>> -> memref<10000x128xf32, #tpu.memory_space<vmem_shared>>
    tpu.wait_indirect_dma semaphore(%arg14 : memref<!tpu.dma_semaphore, #tpu.memory_space<semaphore_mem>>) src(%arg8 : memref<80x128xf32, #tpu.memory_space<vmem>>) dst(%dma_wait3A_120 : memref<10000x128xf32, #tpu.memory_space<vmem_shared>>)
    %dma_wait3A_121 = arith.constant 0 : i32
    %dma_wait3A_122 = tpu.memref_slice %arg7[%dma_wait3A_121] : memref<10000xi32, #tpu.memory_space<vmem>> -> memref<80xi32, #tpu.memory_space<vmem>>
    %dma_wait3A_123 = arith.constant 0 : i32
    %dma_wait3A_124 = arith.constant 0 : i32
    %dma_wait3A_125 = tpu.memref_slice %arg17[%dma_wait3A_123, %dma_wait3A_124] : memref<10000x128xf32, #tpu.memory_space<vmem_shared>> -> memref<10000x128xf32, #tpu.memory_space<vmem_shared>>
    tpu.wait_indirect_dma semaphore(%arg15 : memref<!tpu.dma_semaphore, #tpu.memory_space<semaphore_mem>>) src(%arg9 : memref<80x128xf32, #tpu.memory_space<vmem>>) dst(%dma_wait3A_125 : memref<10000x128xf32, #tpu.memory_space<vmem_shared>>)
    %barrier3A_126 = arith.constant 0 : index
    tpu.barrier barrier_id(%barrier3A_126)
    %scan3A_127 = arith.constant 0 : i32
    %scan3A_128 = arith.constant 8 : i32
    %scan3A_129 = arith.addi %scan3A_127, %scan3A_128 : i32
    %scan3A_130 = arith.constant 1 : i32
    scf.for %scan3A_132 = %scan3A_127 to %scan3A_129 step %scan3A_130  : i32 {
      %mul3A_133 = arith.constant 1 : i32
      %mul3A_134 = arith.muli %scan3A_132, %mul3A_133 : i32
      %add3A_135 = arith.constant 0 : i32
      %add3A_136 = arith.addi %add3A_135, %mul3A_134 : i32
      %lt3A_137 = arith.cmpi slt, %add3A_136, %select_n3A : i32
      %convert_element_type3A = arith.extui %lt3A_137 : i1 to i32
      %cond3A = arith.constant 0 : i32
      %cond3A_138 = arith.cmpi ne, %convert_element_type3A, %cond3A : i32
      scf.if %cond3A_138 {
        %mul3A_139 = arith.constant 80 : i32
        %mul3A_140 = arith.muli %add3A_136, %mul3A_139 : i32
        %add3A_141 = arith.addi %sub3A_9, %mul3A_140 : i32
        %mul3A_142 = arith.constant 80 : i32
        %mul3A_143 = arith.muli %add3A_136, %mul3A_142 : i32
        %add3A_144 = arith.addi %sub3A_9, %mul3A_143 : i32
        "tpu.region"() ({
          %run_scoped3A = tpu.sem_alloc : memref<!tpu.dma_semaphore, #tpu.memory_space<semaphore_mem>>
          %dma_start3A_145 = arith.constant 0 : i32
          %dma_start3A_146 = tpu.memref_slice %arg5[%arg0, %add3A_144, %dma_start3A_145] : memref<2x10000x128xf32, #tpu.memory_space<hbm>> -> memref<1x80x128xf32, #tpu.memory_space<hbm>>
          %dma_start3A_147 = tpu.memref_squeeze %dma_start3A_146 : memref<1x80x128xf32, #tpu.memory_space<hbm>> -> memref<80x128xf32, #tpu.memory_space<hbm>>
          %dma_start3A_148 = arith.constant 0 : i32
          %dma_start3A_149 = tpu.memref_slice %arg17[%add3A_141, %dma_start3A_148] : memref<10000x128xf32, #tpu.memory_space<vmem_shared>> -> memref<80x128xf32, #tpu.memory_space<vmem_shared>>
          tpu.enqueue_dma source(%dma_start3A_149 : memref<80x128xf32, #tpu.memory_space<vmem_shared>>) target(%dma_start3A_147 : memref<80x128xf32, #tpu.memory_space<hbm>>) target_semaphore(%run_scoped3A : memref<!tpu.dma_semaphore, #tpu.memory_space<semaphore_mem>>)
          %dma_wait3A_150 = arith.constant 0 : i32
          %dma_wait3A_151 = tpu.memref_slice %arg5[%arg0, %add3A_144, %dma_wait3A_150] : memref<2x10000x128xf32, #tpu.memory_space<hbm>> -> memref<1x80x128xf32, #tpu.memory_space<hbm>>
          %dma_wait3A_152 = tpu.memref_squeeze %dma_wait3A_151 : memref<1x80x128xf32, #tpu.memory_space<hbm>> -> memref<80x128xf32, #tpu.memory_space<hbm>>
          %dma_wait3A_153 = arith.constant 0 : i32
          %dma_wait3A_154 = tpu.memref_slice %arg17[%add3A_141, %dma_wait3A_153] : memref<10000x128xf32, #tpu.memory_space<vmem_shared>> -> memref<80x128xf32, #tpu.memory_space<vmem_shared>>
          tpu.wait_dma2 semaphore(%run_scoped3A : memref<!tpu.dma_semaphore, #tpu.memory_space<semaphore_mem>>) src(%dma_wait3A_154 : memref<80x128xf32, #tpu.memory_space<vmem_shared>>) dst(%dma_wait3A_152 : memref<80x128xf32, #tpu.memory_space<hbm>>)
          tpu.yield
        }) : () -> ()
      } else {
      }
    }
    %scan3A_131 = arith.constant 8 : i32
    return
  }
}

module attributes {stable_mosaic.version = 14 : i64} {
  func.func @body(%arg0: i32, %arg1: memref<32x1024xf32, #tpu.memory_space<vmem>>, %arg2: memref<1024x128xf32, #tpu.memory_space<vmem>>, %arg3: memref<128x128xf32, #tpu.memory_space<vmem>>, %arg4: memref<1024x1xf32, #tpu.memory_space<vmem>>, %arg5: memref<1024x128xf32, #tpu.memory_space<vmem>>, %arg6: memref<1024x128xf32, #tpu.memory_space<vmem>>) attributes {dimension_semantics = [#tpu.dimension_semantics<arbitrary>], iteration_bounds = array<i64: 10>, scalar_prefetch = 0 : i64, scratch_operands = 0 : i64, tpu.core_type = #tpu.core_type<tc>, window_params = [{transform_indices = @transform_0, window_bounds = array<i64: 32, 1024>}, {transform_indices = @transform_1, window_bounds = array<i64: 1024, 128>}, {pipeline_mode = #tpu.pipeline_mode<synchronous>, transform_indices = @transform_2, window_bounds = array<i64: 128, 128>}, {transform_indices = @transform_3, window_bounds = array<i64: 1024, 1>}, {transform_indices = @transform_4, window_bounds = array<i64: 1024, 128>}, {transform_indices = @transform_5, window_bounds = array<i64: 1024, 128>}]} {
    %get3A = arith.constant 0 : index
    %get3A_0 = arith.constant 0 : index
    %get3A_1 = vector.load %arg1[%get3A, %get3A_0] : memref<32x1024xf32, #tpu.memory_space<vmem>>, vector<32x1024xf32>
    %reduce_sum3A = arith.constant dense<0.000000e+00> : vector<1024xf32>
    %reduce_sum3A_2 = vector.multi_reduction <add>, %get3A_1, %reduce_sum3A [0] : vector<32x1024xf32> to vector<1024xf32>
    %add3A = arith.constant 1.000000e+00 : f32
    %add3A_3 = vector.broadcast %add3A : f32 to vector<1024xf32>
    %add3A_4 = arith.addf %reduce_sum3A_2, %add3A_3 : vector<1024xf32>
    %rsqrt3A = math.rsqrt %add3A_4 : vector<1024xf32>
    %broadcast_in_dim3A = vector.shape_cast %rsqrt3A : vector<1024xf32> to vector<1024x1xf32>
    %swap3A = arith.constant 0 : index
    %swap3A_5 = arith.constant 0 : index
    %swap3A_6 = vector.load %arg4[%swap3A, %swap3A_5] : memref<1024x1xf32, #tpu.memory_space<vmem>>, vector<1024x1xf32>
    tpu.vector_store %arg4[%swap3A, %swap3A_5], %broadcast_in_dim3A {strides = array<i32>} : memref<1024x1xf32, #tpu.memory_space<vmem>>, vector<1024x1xf32>,
    %get3A_7 = arith.constant 0 : index
    %get3A_8 = arith.constant 0 : index
    %get3A_9 = vector.load %arg2[%get3A_7, %get3A_8] : memref<1024x128xf32, #tpu.memory_space<vmem>>, vector<1024x128xf32>
    %get3A_10 = arith.constant 0 : index
    %get3A_11 = arith.constant 0 : index
    %get3A_12 = vector.load %arg3[%get3A_10, %get3A_11] : memref<128x128xf32, #tpu.memory_space<vmem>>, vector<128x128xf32>
    %dot_general3A = arith.constant dense<0.000000e+00> : vector<1024x128xf32>
    %dot_general3A_13 = tpu.matmul %get3A_9, %get3A_12, %dot_general3A {dimension_numbers = #tpu.dot_dimension_numbers<[1], [0], [0], [1], [0, 0, 1, 1], [], []>, transpose_lhs_hint = false} : vector<1024x128xf32>, vector<128x128xf32>, vector<1024x128xf32> -> vector<1024x128xf32>
    %swap3A_14 = arith.constant 0 : index
    %swap3A_15 = arith.constant 0 : index
    %swap3A_16 = vector.load %arg5[%swap3A_14, %swap3A_15] : memref<1024x128xf32, #tpu.memory_space<vmem>>, vector<1024x128xf32>
    tpu.vector_store %arg5[%swap3A_14, %swap3A_15], %dot_general3A_13 {strides = array<i32>} : memref<1024x128xf32, #tpu.memory_space<vmem>>, vector<1024x128xf32>,
    %broadcast_in_dim3A_17 = vector.shape_cast %rsqrt3A : vector<1024xf32> to vector<1024x1xf32>
    %mul3A = vector.broadcast %broadcast_in_dim3A_17 : vector<1024x1xf32> to vector<1024x128xf32>
    %mul3A_18 = arith.mulf %mul3A, %dot_general3A_13 : vector<1024x128xf32>
    %swap3A_19 = arith.constant 0 : index
    %swap3A_20 = arith.constant 0 : index
    %swap3A_21 = vector.load %arg6[%swap3A_19, %swap3A_20] : memref<1024x128xf32, #tpu.memory_space<vmem>>, vector<1024x128xf32>
    tpu.vector_store %arg6[%swap3A_19, %swap3A_20], %mul3A_18 {strides = array<i32>} : memref<1024x128xf32, #tpu.memory_space<vmem>>, vector<1024x128xf32>,
    return
  }
  func.func @transform_0(%arg0: i32) -> (i32, i32) {
    %c0_i32 = arith.constant 0 : i32
    %c0_i32_0 = arith.constant 0 : i32
    return %c0_i32, %arg0 : i32, i32
  }
  func.func @transform_1(%arg0: i32) -> (i32, i32) {
    %c0_i32 = arith.constant 0 : i32
    %c0_i32_0 = arith.constant 0 : i32
    return %arg0, %c0_i32 : i32, i32
  }
  func.func @transform_2(%arg0: i32) -> (i32, i32) {
    %c0_i32 = arith.constant 0 : i32
    %c0_i32_0 = arith.constant 0 : i32
    %c0_i32_1 = arith.constant 0 : i32
    return %c0_i32, %c0_i32_0 : i32, i32
  }
  func.func @transform_3(%arg0: i32) -> (i32, i32) {
    %c0_i32 = arith.constant 0 : i32
    %c0_i32_0 = arith.constant 0 : i32
    return %arg0, %c0_i32 : i32, i32
  }
  func.func @transform_4(%arg0: i32) -> (i32, i32) {
    %c0_i32 = arith.constant 0 : i32
    %c0_i32_0 = arith.constant 0 : i32
    return %arg0, %c0_i32 : i32, i32
  }
  func.func @transform_5(%arg0: i32) -> (i32, i32) {
    %c0_i32 = arith.constant 0 : i32
    %c0_i32_0 = arith.constant 0 : i32
    return %arg0, %c0_i32 : i32, i32
  }
}

module attributes {stable_mosaic.version = 14 : i64} {
  func.func @body(%arg0: i32, %arg1: memref<2x1000x128xf32, #tpu.memory_space<vmem>>, %arg2: memref<1000x128xf32, #tpu.memory_space<vmem>>, %arg3: memref<1000x1xf32, #tpu.memory_space<vmem>>, %arg4: memref<1x128xf32, #tpu.memory_space<vmem>>, %arg5: memref<128x128xf32, #tpu.memory_space<vmem>>, %arg6: memref<1000x128xf32, #tpu.memory_space<vmem>>, %arg7: memref<1000x128xf32, #tpu.memory_space<vmem>>) attributes {dimension_semantics = [#tpu.dimension_semantics<arbitrary>], iteration_bounds = array<i64: 10>, scalar_prefetch = 0 : i64, scratch_operands = 0 : i64, tpu.core_type = #tpu.core_type<tc>, window_params = [{transform_indices = @transform_0, window_bounds = array<i64: 2, 1000, 128>}, {transform_indices = @transform_1, window_bounds = array<i64: 1000, 128>}, {transform_indices = @transform_2, window_bounds = array<i64: 1000, 1>}, {pipeline_mode = #tpu.pipeline_mode<synchronous>, transform_indices = @transform_3, window_bounds = array<i64: 1, 128>}, {pipeline_mode = #tpu.pipeline_mode<synchronous>, transform_indices = @transform_4, window_bounds = array<i64: 128, 128>}, {transform_indices = @transform_5, window_bounds = array<i64: 1000, 128>}, {transform_indices = @transform_6, window_bounds = array<i64: 1000, 128>}]} {
    %get3A = arith.constant 0 : index
    %get3A_0 = arith.constant 0 : index
    %get3A_1 = vector.load %arg3[%get3A, %get3A_0] : memref<1000x1xf32, #tpu.memory_space<vmem>>, vector<1000x1xf32>
    %get3A_2 = arith.constant 0 : index
    %get3A_3 = arith.constant 0 : index
    %get3A_4 = arith.constant 0 : index
    %get3A_5 = vector.load %arg1[%get3A_2, %get3A_3, %get3A_4] : memref<2x1000x128xf32, #tpu.memory_space<vmem>>, vector<1x1000x128xf32>
    %get3A_6 = vector.shape_cast %get3A_5 : vector<1x1000x128xf32> to vector<1000x128xf32>
    %get3A_7 = arith.constant 1 : index
    %get3A_8 = arith.constant 0 : index
    %get3A_9 = arith.constant 0 : index
    %get3A_10 = vector.load %arg1[%get3A_7, %get3A_8, %get3A_9] : memref<2x1000x128xf32, #tpu.memory_space<vmem>>, vector<1x1000x128xf32>
    %get3A_11 = vector.shape_cast %get3A_10 : vector<1x1000x128xf32> to vector<1000x128xf32>
    %add3A = arith.addf %get3A_6, %get3A_11 : vector<1000x128xf32>
    %mul3A = vector.broadcast %get3A_1 : vector<1000x1xf32> to vector<1000x128xf32>
    %mul3A_12 = arith.mulf %mul3A, %add3A : vector<1000x128xf32>
    %mul3A_13 = arith.mulf %get3A_1, %get3A_1 : vector<1000x1xf32>
    %get3A_14 = arith.constant 0 : index
    %get3A_15 = arith.constant 0 : index
    %get3A_16 = vector.load %arg2[%get3A_14, %get3A_15] : memref<1000x128xf32, #tpu.memory_space<vmem>>, vector<1000x128xf32>
    %mul3A_17 = vector.broadcast %mul3A_13 : vector<1000x1xf32> to vector<1000x128xf32>
    %mul3A_18 = arith.mulf %mul3A_17, %get3A_16 : vector<1000x128xf32>
    %add3A_19 = arith.addf %mul3A_12, %mul3A_18 : vector<1000x128xf32>
    %get3A_20 = arith.constant 0 : index
    %get3A_21 = arith.constant 0 : index
    %get3A_22 = vector.load %arg4[%get3A_20, %get3A_21] : memref<1x128xf32, #tpu.memory_space<vmem>>, vector<1x128xf32>
    %add3A_23 = vector.broadcast %get3A_22 : vector<1x128xf32> to vector<1000x128xf32>
    %add3A_24 = arith.addf %add3A_19, %add3A_23 : vector<1000x128xf32>
    %max3A = arith.constant 0.000000e+00 : f32
    %max3A_25 = vector.broadcast %max3A : f32 to vector<1000x128xf32>
    %max3A_26 = arith.maximumf %add3A_24, %max3A_25 : vector<1000x128xf32>
    %get3A_27 = arith.constant 0 : index
    %get3A_28 = arith.constant 0 : index
    %get3A_29 = vector.load %arg5[%get3A_27, %get3A_28] : memref<128x128xf32, #tpu.memory_space<vmem>>, vector<128x128xf32>
    %dot_general3A = arith.constant dense<0.000000e+00> : vector<1000x128xf32>
    %dot_general3A_30 = tpu.matmul %max3A_26, %get3A_29, %dot_general3A {dimension_numbers = #tpu.dot_dimension_numbers<[1], [0], [0], [1], [0, 0, 1, 1], [], []>, transpose_lhs_hint = false} : vector<1000x128xf32>, vector<128x128xf32>, vector<1000x128xf32> -> vector<1000x128xf32>
    %swap3A = arith.constant 0 : index
    %swap3A_31 = arith.constant 0 : index
    %swap3A_32 = vector.load %arg6[%swap3A, %swap3A_31] : memref<1000x128xf32, #tpu.memory_space<vmem>>, vector<1000x128xf32>
    tpu.vector_store %arg6[%swap3A, %swap3A_31], %dot_general3A_30 {strides = array<i32>} : memref<1000x128xf32, #tpu.memory_space<vmem>>, vector<1000x128xf32>,
    %mul3A_33 = vector.broadcast %get3A_1 : vector<1000x1xf32> to vector<1000x128xf32>
    %mul3A_34 = arith.mulf %mul3A_33, %dot_general3A_30 : vector<1000x128xf32>
    %swap3A_35 = arith.constant 0 : index
    %swap3A_36 = arith.constant 0 : index
    %swap3A_37 = vector.load %arg7[%swap3A_35, %swap3A_36] : memref<1000x128xf32, #tpu.memory_space<vmem>>, vector<1000x128xf32>
    tpu.vector_store %arg7[%swap3A_35, %swap3A_36], %mul3A_34 {strides = array<i32>} : memref<1000x128xf32, #tpu.memory_space<vmem>>, vector<1000x128xf32>,
    return
  }
  func.func @transform_0(%arg0: i32) -> (i32, i32, i32) {
    %c0_i32 = arith.constant 0 : i32
    %c0_i32_0 = arith.constant 0 : i32
    %c0_i32_1 = arith.constant 0 : i32
    return %c0_i32, %arg0, %c0_i32_0 : i32, i32, i32
  }
  func.func @transform_1(%arg0: i32) -> (i32, i32) {
    %c0_i32 = arith.constant 0 : i32
    %c0_i32_0 = arith.constant 0 : i32
    return %arg0, %c0_i32 : i32, i32
  }
  func.func @transform_2(%arg0: i32) -> (i32, i32) {
    %c0_i32 = arith.constant 0 : i32
    %c0_i32_0 = arith.constant 0 : i32
    return %arg0, %c0_i32 : i32, i32
  }
  func.func @transform_3(%arg0: i32) -> (i32, i32) {
    %c0_i32 = arith.constant 0 : i32
    %c0_i32_0 = arith.constant 0 : i32
    %c0_i32_1 = arith.constant 0 : i32
    return %c0_i32, %c0_i32_0 : i32, i32
  }
  func.func @transform_4(%arg0: i32) -> (i32, i32) {
    %c0_i32 = arith.constant 0 : i32
    %c0_i32_0 = arith.constant 0 : i32
    %c0_i32_1 = arith.constant 0 : i32
    return %c0_i32, %c0_i32_0 : i32, i32
  }
  func.func @transform_5(%arg0: i32) -> (i32, i32) {
    %c0_i32 = arith.constant 0 : i32
    %c0_i32_0 = arith.constant 0 : i32
    return %arg0, %c0_i32 : i32, i32
  }
  func.func @transform_6(%arg0: i32) -> (i32, i32) {
    %c0_i32 = arith.constant 0 : i32
    %c0_i32_0 = arith.constant 0 : i32
    return %arg0, %c0_i32 : i32, i32
  }
}

module attributes {stable_mosaic.version = 14 : i64} {
  func.func @body(%arg0: i32, %arg1: memref<2x1000x128xf32, #tpu.memory_space<vmem>>, %arg2: memref<1000x128xf32, #tpu.memory_space<vmem>>, %arg3: memref<1000x1xf32, #tpu.memory_space<vmem>>, %arg4: memref<1x128xf32, #tpu.memory_space<vmem>>, %arg5: memref<1x1x1000xi32, #tpu.memory_space<vmem>>, %arg6: memref<128x128xf32, #tpu.memory_space<vmem>>, %arg7: memref<1x128xf32, #tpu.memory_space<vmem>>, %arg8: memref<64x128xf32, #tpu.memory_space<vmem>>, %arg9: memref<64x128xf32, #tpu.memory_space<vmem>>, %arg10: memref<64x128xf32, #tpu.memory_space<vmem>>) attributes {dimension_semantics = [#tpu.dimension_semantics<arbitrary>], iteration_bounds = array<i64: 10>, scalar_prefetch = 0 : i64, scratch_operands = 0 : i64, tpu.core_type = #tpu.core_type<tc>, window_params = [{transform_indices = @transform_0, window_bounds = array<i64: 2, 1000, 128>}, {transform_indices = @transform_1, window_bounds = array<i64: 1000, 128>}, {transform_indices = @transform_2, window_bounds = array<i64: 1000, 1>}, {pipeline_mode = #tpu.pipeline_mode<synchronous>, transform_indices = @transform_3, window_bounds = array<i64: 1, 128>}, {transform_indices = @transform_4, window_bounds = array<i64: 1, 1, 1000>}, {pipeline_mode = #tpu.pipeline_mode<synchronous>, transform_indices = @transform_5, window_bounds = array<i64: 128, 128>}, {pipeline_mode = #tpu.pipeline_mode<synchronous>, transform_indices = @transform_6, window_bounds = array<i64: 1, 128>}, {pipeline_mode = #tpu.pipeline_mode<synchronous>, transform_indices = @transform_7, window_bounds = array<i64: 64, 128>}, {pipeline_mode = #tpu.pipeline_mode<synchronous>, transform_indices = @transform_8, window_bounds = array<i64: 64, 128>}, {pipeline_mode = #tpu.pipeline_mode<synchronous>, transform_indices = @transform_9, window_bounds = array<i64: 64, 128>}]} {
    %get3A = arith.constant 0 : index
    %get3A_0 = arith.constant 0 : index
    %get3A_1 = vector.load %arg3[%get3A, %get3A_0] : memref<1000x1xf32, #tpu.memory_space<vmem>>, vector<1000x1xf32>
    %get3A_2 = arith.constant 0 : index
    %get3A_3 = arith.constant 0 : index
    %get3A_4 = arith.constant 0 : index
    %get3A_5 = vector.load %arg1[%get3A_2, %get3A_3, %get3A_4] : memref<2x1000x128xf32, #tpu.memory_space<vmem>>, vector<1x1000x128xf32>
    %get3A_6 = vector.shape_cast %get3A_5 : vector<1x1000x128xf32> to vector<1000x128xf32>
    %get3A_7 = arith.constant 1 : index
    %get3A_8 = arith.constant 0 : index
    %get3A_9 = arith.constant 0 : index
    %get3A_10 = vector.load %arg1[%get3A_7, %get3A_8, %get3A_9] : memref<2x1000x128xf32, #tpu.memory_space<vmem>>, vector<1x1000x128xf32>
    %get3A_11 = vector.shape_cast %get3A_10 : vector<1x1000x128xf32> to vector<1000x128xf32>
    %add3A = arith.addf %get3A_6, %get3A_11 : vector<1000x128xf32>
    %mul3A = vector.broadcast %get3A_1 : vector<1000x1xf32> to vector<1000x128xf32>
    %mul3A_12 = arith.mulf %mul3A, %add3A : vector<1000x128xf32>
    %mul3A_13 = arith.mulf %get3A_1, %get3A_1 : vector<1000x1xf32>
    %get3A_14 = arith.constant 0 : index
    %get3A_15 = arith.constant 0 : index
    %get3A_16 = vector.load %arg2[%get3A_14, %get3A_15] : memref<1000x128xf32, #tpu.memory_space<vmem>>, vector<1000x128xf32>
    %mul3A_17 = vector.broadcast %mul3A_13 : vector<1000x1xf32> to vector<1000x128xf32>
    %mul3A_18 = arith.mulf %mul3A_17, %get3A_16 : vector<1000x128xf32>
    %add3A_19 = arith.addf %mul3A_12, %mul3A_18 : vector<1000x128xf32>
    %get3A_20 = arith.constant 0 : index
    %get3A_21 = arith.constant 0 : index
    %get3A_22 = vector.load %arg4[%get3A_20, %get3A_21] : memref<1x128xf32, #tpu.memory_space<vmem>>, vector<1x128xf32>
    %add3A_23 = vector.broadcast %get3A_22 : vector<1x128xf32> to vector<1000x128xf32>
    %add3A_24 = arith.addf %add3A_19, %add3A_23 : vector<1000x128xf32>
    %get3A_25 = arith.constant 0 : index
    %get3A_26 = arith.constant 0 : index
    %get3A_27 = arith.constant 0 : index
    %get3A_28 = vector.load %arg5[%get3A_25, %get3A_26, %get3A_27] : memref<1x1x1000xi32, #tpu.memory_space<vmem>>, vector<1x1x1000xi32>
    %get3A_29 = vector.shape_cast %get3A_28 : vector<1x1x1000xi32> to vector<1000xi32>
    %iota3A = tpu.iota {dimensions = array<i32: 1>} : vector<1x64xi32>
    %broadcast_in_dim3A = vector.shape_cast %get3A_29 : vector<1000xi32> to vector<1000x1xi32>
    %eq3A = vector.broadcast %broadcast_in_dim3A : vector<1000x1xi32> to vector<1000x64xi32>
    %eq3A_30 = vector.broadcast %iota3A : vector<1x64xi32> to vector<1000x64xi32>
    %eq3A_31 = arith.cmpi eq, %eq3A, %eq3A_30 : vector<1000x64xi32>
    %convert_element_type3A = arith.extui %eq3A_31 : vector<1000x64xi1> to vector<1000x64xi32>
    %convert_element_type3A_32 = arith.sitofp %convert_element_type3A : vector<1000x64xi32> to vector<1000x64xf32>
    %dot_general3A = arith.constant dense<0.000000e+00> : vector<64x128xf32>
    %dot_general3A_33 = tpu.matmul %convert_element_type3A_32, %add3A_24, %dot_general3A {dimension_numbers = #tpu.dot_dimension_numbers<[0], [0], [1], [1], [0, 1, 1, 1], [], []>, transpose_lhs_hint = false} : vector<1000x64xf32>, vector<1000x128xf32>, vector<64x128xf32> -> vector<64x128xf32>
    %broadcast_in_dim3A_34 = arith.constant 1.000000e+00 : f32
    %broadcast_in_dim3A_35 = vector.broadcast %broadcast_in_dim3A_34 : f32 to vector<1000x128xf32>
    %dot_general3A_36 = arith.constant dense<0.000000e+00> : vector<64x128xf32>
    %dot_general3A_37 = tpu.matmul %convert_element_type3A_32, %broadcast_in_dim3A_35, %dot_general3A_36 {dimension_numbers = #tpu.dot_dimension_numbers<[0], [0], [1], [1], [0, 1, 1, 1], [], []>, transpose_lhs_hint = false} : vector<1000x64xf32>, vector<1000x128xf32>, vector<64x128xf32> -> vector<64x128xf32>
    %eq3A_38 = arith.constant 0 : i32
    %eq3A_39 = arith.cmpi eq, %arg0, %eq3A_38 : i32
    %convert_element_type3A_40 = arith.extui %eq3A_39 : i1 to i32
    %cond3A = arith.constant 0 : i32
    %cond3A_41 = arith.cmpi ne, %convert_element_type3A_40, %cond3A : i32
    scf.if %cond3A_41 {
      %broadcast_in_dim3A_60 = arith.constant 0.000000e+00 : f32
      %broadcast_in_dim3A_61 = vector.broadcast %broadcast_in_dim3A_60 : f32 to vector<64x128xf32>
      %swap3A_62 = arith.constant 0 : index
      %swap3A_63 = arith.constant 0 : index
      %swap3A_64 = vector.load %arg9[%swap3A_62, %swap3A_63] : memref<64x128xf32, #tpu.memory_space<vmem>>, vector<64x128xf32>
      tpu.vector_store %arg9[%swap3A_62, %swap3A_63], %broadcast_in_dim3A_61 {strides = array<i32>} : memref<64x128xf32, #tpu.memory_space<vmem>>, vector<64x128xf32>,
      %broadcast_in_dim3A_65 = arith.constant 0.000000e+00 : f32
      %broadcast_in_dim3A_66 = vector.broadcast %broadcast_in_dim3A_65 : f32 to vector<64x128xf32>
      %swap3A_67 = arith.constant 0 : index
      %swap3A_68 = arith.constant 0 : index
      %swap3A_69 = vector.load %arg10[%swap3A_67, %swap3A_68] : memref<64x128xf32, #tpu.memory_space<vmem>>, vector<64x128xf32>
      tpu.vector_store %arg10[%swap3A_67, %swap3A_68], %broadcast_in_dim3A_66 {strides = array<i32>} : memref<64x128xf32, #tpu.memory_space<vmem>>, vector<64x128xf32>,
    } else {
    }
    %get3A_42 = arith.constant 0 : index
    %get3A_43 = arith.constant 0 : index
    %get3A_44 = vector.load %arg9[%get3A_42, %get3A_43] : memref<64x128xf32, #tpu.memory_space<vmem>>, vector<64x128xf32>
    %add3A_45 = arith.addf %get3A_44, %dot_general3A_33 : vector<64x128xf32>
    %swap3A = arith.constant 0 : index
    %swap3A_46 = arith.constant 0 : index
    %swap3A_47 = vector.load %arg9[%swap3A, %swap3A_46] : memref<64x128xf32, #tpu.memory_space<vmem>>, vector<64x128xf32>
    tpu.vector_store %arg9[%swap3A, %swap3A_46], %add3A_45 {strides = array<i32>} : memref<64x128xf32, #tpu.memory_space<vmem>>, vector<64x128xf32>,
    %get3A_48 = arith.constant 0 : index
    %get3A_49 = arith.constant 0 : index
    %get3A_50 = vector.load %arg10[%get3A_48, %get3A_49] : memref<64x128xf32, #tpu.memory_space<vmem>>, vector<64x128xf32>
    %add3A_51 = arith.addf %get3A_50, %dot_general3A_37 : vector<64x128xf32>
    %swap3A_52 = arith.constant 0 : index
    %swap3A_53 = arith.constant 0 : index
    %swap3A_54 = vector.load %arg10[%swap3A_52, %swap3A_53] : memref<64x128xf32, #tpu.memory_space<vmem>>, vector<64x128xf32>
    tpu.vector_store %arg10[%swap3A_52, %swap3A_53], %add3A_51 {strides = array<i32>} : memref<64x128xf32, #tpu.memory_space<vmem>>, vector<64x128xf32>,
    %eq3A_55 = arith.constant 9 : i32
    %eq3A_56 = arith.cmpi eq, %arg0, %eq3A_55 : i32
    %convert_element_type3A_57 = arith.extui %eq3A_56 : i1 to i32
    %cond3A_58 = arith.constant 0 : i32
    %cond3A_59 = arith.cmpi ne, %convert_element_type3A_57, %cond3A_58 : i32
    scf.if %cond3A_59 {
      %get3A_60 = arith.constant 0 : index
      %get3A_61 = arith.constant 0 : index
      %get3A_62 = vector.load %arg9[%get3A_60, %get3A_61] : memref<64x128xf32, #tpu.memory_space<vmem>>, vector<64x128xf32>
      %get3A_63 = arith.constant 0 : index
      %get3A_64 = arith.constant 0 : index
      %get3A_65 = vector.load %arg10[%get3A_63, %get3A_64] : memref<64x128xf32, #tpu.memory_space<vmem>>, vector<64x128xf32>
      %max3A = arith.constant 1.000000e+00 : f32
      %max3A_66 = vector.broadcast %max3A : f32 to vector<64x128xf32>
      %max3A_67 = arith.maximumf %get3A_65, %max3A_66 : vector<64x128xf32>
      %div3A = arith.divf %get3A_62, %max3A_67 : vector<64x128xf32>
      %get3A_68 = arith.constant 0 : index
      %get3A_69 = arith.constant 0 : index
      %get3A_70 = vector.load %arg6[%get3A_68, %get3A_69] : memref<128x128xf32, #tpu.memory_space<vmem>>, vector<128x128xf32>
      %dot_general3A_71 = arith.constant dense<0.000000e+00> : vector<64x128xf32>
      %dot_general3A_72 = tpu.matmul %div3A, %get3A_70, %dot_general3A_71 {dimension_numbers = #tpu.dot_dimension_numbers<[1], [0], [0], [1], [0, 0, 1, 1], [], []>, transpose_lhs_hint = false} : vector<64x128xf32>, vector<128x128xf32>, vector<64x128xf32> -> vector<64x128xf32>
      %get3A_73 = arith.constant 0 : index
      %get3A_74 = arith.constant 0 : index
      %get3A_75 = vector.load %arg7[%get3A_73, %get3A_74] : memref<1x128xf32, #tpu.memory_space<vmem>>, vector<1x128xf32>
      %add3A_76 = vector.broadcast %get3A_75 : vector<1x128xf32> to vector<64x128xf32>
      %add3A_77 = arith.addf %dot_general3A_72, %add3A_76 : vector<64x128xf32>
      %swap3A_78 = arith.constant 0 : index
      %swap3A_79 = arith.constant 0 : index
      %swap3A_80 = vector.load %arg8[%swap3A_78, %swap3A_79] : memref<64x128xf32, #tpu.memory_space<vmem>>, vector<64x128xf32>
      tpu.vector_store %arg8[%swap3A_78, %swap3A_79], %add3A_77 {strides = array<i32>} : memref<64x128xf32, #tpu.memory_space<vmem>>, vector<64x128xf32>,
    } else {
    }
    return
  }
  func.func @transform_0(%arg0: i32) -> (i32, i32, i32) {
    %c0_i32 = arith.constant 0 : i32
    %c0_i32_0 = arith.constant 0 : i32
    %c0_i32_1 = arith.constant 0 : i32
    return %c0_i32, %arg0, %c0_i32_0 : i32, i32, i32
  }
  func.func @transform_1(%arg0: i32) -> (i32, i32) {
    %c0_i32 = arith.constant 0 : i32
    %c0_i32_0 = arith.constant 0 : i32
    return %arg0, %c0_i32 : i32, i32
  }
  func.func @transform_2(%arg0: i32) -> (i32, i32) {
    %c0_i32 = arith.constant 0 : i32
    %c0_i32_0 = arith.constant 0 : i32
    return %arg0, %c0_i32 : i32, i32
  }
  func.func @transform_3(%arg0: i32) -> (i32, i32) {
    %c0_i32 = arith.constant 0 : i32
    %c0_i32_0 = arith.constant 0 : i32
    %c0_i32_1 = arith.constant 0 : i32
    return %c0_i32, %c0_i32_0 : i32, i32
  }
  func.func @transform_4(%arg0: i32) -> (i32, i32, i32) {
    %c0_i32 = arith.constant 0 : i32
    %c0_i32_0 = arith.constant 0 : i32
    %c0_i32_1 = arith.constant 0 : i32
    return %arg0, %c0_i32, %c0_i32_0 : i32, i32, i32
  }
  func.func @transform_5(%arg0: i32) -> (i32, i32) {
    %c0_i32 = arith.constant 0 : i32
    %c0_i32_0 = arith.constant 0 : i32
    %c0_i32_1 = arith.constant 0 : i32
    return %c0_i32, %c0_i32_0 : i32, i32
  }
  func.func @transform_6(%arg0: i32) -> (i32, i32) {
    %c0_i32 = arith.constant 0 : i32
    %c0_i32_0 = arith.constant 0 : i32
    %c0_i32_1 = arith.constant 0 : i32
    return %c0_i32, %c0_i32_0 : i32, i32
  }
  func.func @transform_7(%arg0: i32) -> (i32, i32) {
    %c0_i32 = arith.constant 0 : i32
    %c0_i32_0 = arith.constant 0 : i32
    %c0_i32_1 = arith.constant 0 : i32
    return %c0_i32, %c0_i32_0 : i32, i32
  }
  func.func @transform_8(%arg0: i32) -> (i32, i32) {
    %c0_i32 = arith.constant 0 : i32
    %c0_i32_0 = arith.constant 0 : i32
    %c0_i32_1 = arith.constant 0 : i32
    return %c0_i32, %c0_i32_0 : i32, i32
  }
  func.func @transform_9(%arg0: i32) -> (i32, i32) {
    %c0_i32 = arith.constant 0 : i32
    %c0_i32_0 = arith.constant 0 : i32
    %c0_i32_1 = arith.constant 0 : i32
    return %c0_i32, %c0_i32_0 : i32, i32
  }
}

</mosaic_0001>

<sc_bundles>
// kernel: kernel.11.cloned.1.call-start
scs
__scs_entry_jumppad:
0x0: {  	(pc) =	sbr.rel $0x88, $3  }
0x1: {  	(tag) =	ssettag $0x0;
	lr =	simm.s32 $0x1  }
0x2: {  	[smem:$0x3F98] =	sst lr;
	_ =	strace $0xD0000000  }
0x3: {  	_ = 	snop  }
0x4: {  	_ = 	snop  }
0x5: {  	_ = 	snop  }
0x6: {  	_ = 	snop  }
0x7: {  	_ = 	snop  }
__scs_overlays_trampoline_lowered:
0x8: {  	[smem:$0x3FA7] =	sst s0  }
0x9: {  	[smem:$0x3FA8] =	sst s1  }
0xa: {  	[smem:$0x3FA9] =	sst s2  }
0xb: {  	[smem:$0x3FAA] =	sst s3  }
0xc: {  	[smem:$0x3FAB] =	sst s4  }
0xd: {  	[smem:$0x3FAC] =	sst s5  }
0xe: {  	[smem:$0x3FAD] =	sst s6  }
0xf: {  	[smem:$0x3FAE] =	sst s7  }
0x10: {  	[smem:$0x3FAF] =	sst s8  }
0x11: {  	[smem:$0x3FB0] =	sst s9;
	s0 =	simm.s32 @!p0 $0x0  }
0x12: {  	s1 =	sld [smem:$0x3F96];
	s0 =	simm.s32 @p0 $0x1  }
0x13: {  	[smem:$0x3FB1] =	sst s0;
	s0 =	simm.s32 @!p1 $0x0  }
0x14: {  	s2 =	sld [smem:$0x3F95];
	s0 =	simm.s32 @p1 $0x1  }
0x15: {  	[smem:$0x3FB2] =	sst s0;
	s0 =	simm.s32 @!p2 $0x0  }
0x16: {  	s3 =	sld [smem:$0x3FDB];
	s0 =	simm.s32 @p2 $0x1  }
0x17: {  	s4 =	simm.s32 $0x1BF5;
	[smem:$0x3FB4] =	sst s0  }
0x18: {  	s0 =	sld [smem:$0x3F97];
	_ =	swait.ge [sflag:s4], $0x0  }
0x19: {  	s7 =	sld [smem:$0x3F98]  }
0x1a: {  	s8 =	sadd.s32 $0xFFFFE003, lr  }
0x1b: {  	s9 =	sadd.s32 $0xFFFFFEF7, lr;
	s5 =	simm.s32 $0xFFFFFFFF;
	p2 =	slt.u32 s8, $0xFFFFF086  }
0x1c: {  	p1 =	slt.u32 s9, $0xF7A;
	s5 =	simm.s32 @!p2 $0x0  }
0x1d: {  	s5 =	simm.s32 @p1 $0x1;
	p0 =	seq.s32 s7, s2  }
0x1e: {  	s7 =	smul.u32 @!p0 $0xF7A, s2;
	p2 =	seq.s32 @!p0 s5, $0x0  }
0x1f: {  	s9 =	smul.u32 $0xF7A, s1;
	s8 =	simm.s32 @!p0 $0x1BF5;
	p2 =	por !p2, p0  }
0x20: {  	[sflag:s8] =	ssyncset.s32 @!p0 $0xFFFFF086;
	s6 =	sadd.s32 @!p0 s3, s7;
	s7 =	simm.s32 @!p0 $0x108  }
0x21: {  	s3 =	sadd.s32 s3, s9;
	s6 =	sadd.s32 @!p0 $0x88, s6;
	s7 =	simm.s32 @p2 $0x1082  }
0x22: {  	[simem:s7], [sflag:s8] =	dma.local @!p0 [hbm:s6], $0xF7A  }
0x23: {  	s9 =	sor.u32 $0xD0000000, s2;
	s6 =	simm.s32 $0x108;
	_ =	swait.ge @!p0 [sflag:s8], $0x0  }
0x24: {  	s3 =	sadd.s32 $0x88, s3;
	s6 =	simm.s32 @!p1 $0x1082;
	[sflag:s4] =	ssyncset.s32 $0xFFFFF086  }
0x25: {  	[simem:s6], [sflag:s4] =	dma.local [hbm:s3], $0xF7A  }
0x26: {  	[smem:$0x3F98] =	sst s1;
	(tag) =	ssettag s2;
	_ =	strace s9  }
0x27: {  	s1 =	sld [smem:$0x3FA8]  }
0x28: {  	s2 =	sld [smem:$0x3FA9]  }
0x29: {  	s4 =	sld [smem:$0x3FAB]  }
0x2a: {  	p0 =	seq.s32 s5, $0x0;
	s5 =	sld [smem:$0x3FAC]  }
0x2b: {  	s6 =	sld [smem:$0x3FAD]  }
0x2c: {  	s7 =	sld [smem:$0x3FAE]  }
0x2d: {  	s3 =	simm.s32 $0x108;
	s8 =	sld [smem:$0x3FAF]  }
0x2e: {  	s3 =	simm.s32 @!p0 $0x1082;
	s9 =	sld [smem:$0x3FB0]  }
0x2f: {  	lr =	sadd.s32 s0, s3;
	s0 =	sld [smem:$0x3FA7]  }
0x30: {  	s3 =	sld [smem:$0x3FAA]  }
0x31: {  	[smem:$0x3FB3] =	sst s10  }
0x32: {  	s10 =	sld [smem:$0x3FB1];
	_ =	sdelay $0x3  }
0x33: {  	p0 =	seq.s32 s10, $0x1;
	s10 =	sld [smem:$0x3FB3];
	_ =	sdelay $0x3  }
0x34: {  	[smem:$0x3FB3] =	sst s10  }
0x35: {  	s10 =	sld [smem:$0x3FB2];
	_ =	sdelay $0x3  }
0x36: {  	p1 =	seq.s32 s10, $0x1;
	s10 =	sld [smem:$0x3FB3];
	_ =	sdelay $0x3  }
0x37: {  	[smem:$0x3FB3] =	sst s10  }
0x38: {  	s10 =	sld [smem:$0x3FB4]  }
0x39: {  	_ = 	snop;
	(pc) =	sbr.ind lr, $3  }
0x3a: {  	_ = 	snop  }
0x3b: {  	_ = 	snop  }
0x3c: {  	p2 =	seq.s32 s10, $0x1;
	s10 =	sld [smem:$0x3FB3]  }
0x3d: {  	_ =	shalt  }
0x3e: {  	_ =	shalt  }
0x3f: {  	_ =	shalt  }
0x40: {  	_ =	shalt  }
0x41: {  	_ =	shalt  }
0x42: {  	_ =	shalt  }
0x43: {  	_ =	shalt  }
0x44: {  	_ =	shalt  }
0x45: {  	_ =	shalt  }
0x46: {  	_ =	shalt  }
0x47: {  	_ =	shalt  }
0x48: {  	_ =	shalt  }
0x49: {  	_ =	shalt  }
0x4a: {  	_ =	shalt  }
0x4b: {  	_ =	shalt  }
0x4c: {  	_ =	shalt  }
0x4d: {  	_ =	shalt  }
0x4e: {  	_ =	shalt  }
0x4f: {  	_ =	shalt  }
0x50: {  	_ =	shalt  }
0x51: {  	_ =	shalt  }
0x52: {  	_ =	shalt  }
0x53: {  	_ =	shalt  }
0x54: {  	_ =	shalt  }
0x55: {  	_ =	shalt  }
0x56: {  	_ =	shalt  }
0x57: {  	_ =	shalt  }
0x58: {  	_ =	shalt  }
0x59: {  	_ =	shalt  }
0x5a: {  	_ =	shalt  }
0x5b: {  	_ =	shalt  }
0x5c: {  	_ =	shalt  }
0x5d: {  	_ =	shalt  }
0x5e: {  	_ =	shalt  }
0x5f: {  	_ =	shalt  }
0x60: {  	_ =	shalt  }
0x61: {  	_ =	shalt  }
0x62: {  	_ =	shalt  }
0x63: {  	_ =	shalt  }
0x64: {  	_ =	shalt  }
0x65: {  	_ =	shalt  }
0x66: {  	_ =	shalt  }
0x67: {  	_ =	shalt  }
0x68: {  	_ =	shalt  }
0x69: {  	_ =	shalt  }
0x6a: {  	_ =	shalt  }
0x6b: {  	_ =	shalt  }
0x6c: {  	_ =	shalt  }
0x6d: {  	_ =	shalt  }
0x6e: {  	_ =	shalt  }
0x6f: {  	_ =	shalt  }
0x70: {  	_ =	shalt  }
0x71: {  	_ =	shalt  }
0x72: {  	_ =	shalt  }
0x73: {  	_ =	shalt  }
0x74: {  	_ =	shalt  }
0x75: {  	_ =	shalt  }
0x76: {  	_ =	shalt  }
0x77: {  	_ =	shalt  }
0x78: {  	_ =	shalt  }
0x79: {  	_ =	shalt  }
0x7a: {  	_ =	shalt  }
0x7b: {  	_ =	shalt  }
0x7c: {  	_ =	shalt  }
0x7d: {  	_ =	shalt  }
0x7e: {  	_ =	shalt  }
0x7f: {  	_ =	shalt  }
0x80: {  	_ =	shalt  }
0x81: {  	_ =	shalt  }
0x82: {  	_ =	shalt  }
0x83: {  	_ =	shalt  }
0x84: {  	_ =	shalt  }
0x85: {  	_ =	shalt  }
0x86: {  	_ =	shalt  }
0x87: {  	_ =	shalt  }
.Lfunc_end0:
.L_simem_size_0:
called_computation.1_lowered:
.L_overlay_start_0:
0x88: {  	s2 =	sld [smem:$0x3FD9]  }
0x89: {  	s3 =	sld [smem:$0x3FFE];
	_ =	sdelay $0x1  }
0x8a: {  	s1 =	srdreg.scid  }
0x8b: {  	s0 =	sand.u32 $0x1, s1  }
0x8c: {  	s16 =	sshll.u32 s0, $0xA;
	s2 =	sadd.s32 s3, s2  }
0x8d: {  	s2 =	sadd.s32 s2, s16  }
0x8e: {  	[smem:$0x3FBF] =	sst s2  }
0x8f: {  	_ = 	snop  }
0x90: {  	(tm) =	ssettm $0x1  }
0x91: {  	s17 =	sld [smem:$0x3FFB];
	_ =	sdelay $0x3  }
0x92: {  	_ =	strace s17  }
0x93: {  	s2 =	sld [smem:$0x3FFC];
	_ =	sdelay $0x3  }
0x94: {  	_ =	strace s2  }
0x95: {  	s2 =	sld [smem:$0x3FFD];
	_ =	sdelay $0x3  }
0x96: {  	_ =	strace s2  }
0x97: {  	_ =	strace $0x8FFFFFFF  }
0x98: {  	s18 =	sld [smem:$0x3FDB];
	_ =	sdelay $0x1  }
0x99: {  	s19 =	simm.s32 $_scs_section_size  }
0x9a: {  	s4 =	simm.s32 $_size__tile_overlayer_lowered;
	s5 =	simm.s32 $_tile_overlayer_lowered  }
0x9b: {  	s22 =	simm.s32 $0x1BFF;
	s21 =	sshll.u32 s5, $0x1;
	s2 =	sadd.s32 s19, s18  }
0x9c: {  	s6 =	simm.s32 $0x0;
	s20 =	sshll.u32 s4, $0x1;
	s4 =	sadd.s32 s21, s2  }
0x9d: {  	[timem:s6], [sflag:s22] =	dma.local [hbm:s4], s20  }
0x9e: {  	_ =	swait.ge [sflag:s22], s20  }
0x9f: {  	s3 =	ssub.s32 $0x0, s20;
	[sflag:s22] =	ssyncset.done $0x0  }
0xa0: {  	[sflag:s22] =	ssyncadd.s32 s3;
	_ =	sdelay $0x1  }
0xa1: {  	s23 =	simm.s32 $0x1B8B  }
0xa2: {  	_ =	swait.ge [sflag:s23], $0x1  }
0xa3: {  	[sflag:s23] =	ssyncset.done $0x0  }
0xa4: {  	s25 =	simm.s32 $0x1B8E;
	s24 =	sld [smem:$0x3FFE];
	[sflag:s23] =	ssyncadd.s32 $0xFFFFFFFF  }
0xa5: {  	s26 =	simm.s32 $execute0_lowered;
	[smem:$0x3FD2] =	sst s25  }
0xa6: {  	s4 =	sshll.u32 s26, $0x1;
	_ =	strace $0x80000049;
	[dreg:$0x1] =	wrdreg $0xFFFFFFFF  }
0xa7: {  	s28 =	simm.s32 $_size_execute0_lowered;
	s2 =	sadd.s32 s2, s4;
	[dreg:$0x0] =	wrdreg $0x0  }
0xa8: {  	s4 =	sshll.u32 s28, $0x1;
	[dreg:$0x2] =	wrdreg s2  }
0xa9: {  	[dreg:$0x3] =	wrdreg s4  }
0xaa: {  	[dreg:$0x4] =	wrdreg $0xC0  }
0xab: {  	_ =	task [dreg:s6], $0x5FFFF  }
0xac: {  	[dreg:$0x1] =	wrdreg $0xFFFFFFFF  }
0xad: {  	[dreg:$0x0] =	wrdreg $0x60  }
0xae: {  	[dreg:$0x2] =	wrdreg s24  }
0xaf: {  	[dreg:$0x3] =	wrdreg $0xC7000  }
0xb0: {  	[dreg:$0x4] =	wrdreg $0x9  }
0xb1: {  	_ =	task.clear_ibuf [dreg:s6], $0x5FFFF;
	_ =	strace $0x90000049  }
0xb2: {  	s29 =	simm.s32 $0x9;
	_ =	strace $0x8000004B  }
0xb3: {  	_ =	swait.ge [sflag:s29], $0x1  }
0xb4: {  	[sflag:s29] =	ssyncadd.s32 $0xFFFFFFFF  }
0xb5: {  	_ =	strace $0x9000004B  }
0xb6: {  	_ =	sfence  }
0xb7: {  	s30 =	sld [smem:$0x0];
	_ =	sdelay $0x2  }
0xb8: {  	s31 =	sshll.u32 s1, $0xD;
	s1 =	sshrl.u32 s1, $0x2  }
0xb9: {  	s3 =	sand.u32 $0x4000, s31;
	s1 =	sadd.s32 s1, s30  }
0xba: {  	s0 =	sor.u32 s3, s0;
	s1 =	sshll.u32 s1, $0x11  }
0xbb: {  	s0 =	sor.u32 s1, s0  }
0xbc: {  	s0 =	sadd.s32 $0x8F2B, s0  }
0xbd: {  	[sflag:s0] =	ssyncadd.remote.s32 $0x1  }
0xbe: {  	_ =	sfence.sel $0xFFFF  }
0xbf: {  	[dreg:$0x0] =	wrdreg $0xFFFFFFFF;
	(pc) =	sbr.abs _section_cstart, $3  }
0xc0: {  	[dreg:$0x1] =	wrdreg $0xFFFFFFFF  }
0xc1: {  	_ =	task.clear_ibuf [dreg:s6], $0x2FFFF;
	_ =	strace $0x9FFFFFFF  }
0xc2: {  	(tm) =	ssettm $0x7FFFFFFF  }
0xc3: {  	_ =	shalt  }
tec
execute0_lowered:
.L_overlay_start_1:
0x0: {  	(tag) =	ssettag $0x1  }
0x1: {  	s0 =	srdreg.scid;
	s1 =	rddreg [dreg:$0x0]  }
0x2: {  	s15 =	stileid.u32;
	s2 =	rddreg [dreg:$0x1];
	s0 =	sand.u32 $0x1, s0  }
0x3: {  	s3 =	sshll.u32 s15, $0x1;
	s6 =	smul.u32 $0x280, s15;
	s4 =	smax.u32 s15, $0xD  }
0x4: {  	p0 =	sgt.u32 s15, $0xC;
	s15 =	simm.s32 $0x6;
	s7 =	smul.u32 $0xFFFFFFB0, s4  }
0x5: {  	s3 =	sor.u32 s0, s3;
	s8 =	ssub.s32 $0x2, s0;
	s0 =	smul.u32 $0x138800, s0  }
0x6: {  	s4 =	sadd.s32 $0x16400, s1;
	s5 =	smul.u32 $0x4E2, s3;
	s3 =	simm.s32 $0x0  }
0x7: {  	s9 =	sshrl.u32 s8, $0x1;
	[smem:$0x7FF] =	sst s3;
	s6 =	sadd.s32 s7, s6  }
0x8: {  	s13 =	ssub.s32 s8, s9;
	_ =	strace $0x8000004A;
	s5 =	sadd.s32 s5, s1  }
0x9: {  	s1 =	sadd.s32 $0x3D600, s1;
	s14 =	sadd.s32 $0x410, s6;
	s17 =	smax.u32 s13, $0x1  }
0xa: {  	s6 =	sadd.s32 $0x460, s6;
	s16 =	sadd.s32 $0x2800, s5;
	s5 =	sadd.s32 $0xC600, s5  }
0xb: {  	[dreg:$0x5] =	wrdreg s17;
	s18 =	sshll.u32 s14, $0x9;
	s19 =	sshll.u32 s14, $0x7  }
0xc: {  	s20 =	sshll.u32 s6, $0x7;
	s23 =	sshll.u32 s6, $0x9;
	[dreg:$0x3] =	wrdreg s16  }
0xd: {  	[dreg:$0x4] =	wrdreg s5;
	s5 =	sshra.s32 s18, $0x2;
	s21 =	sadd.s32 s0, s19  }
0xe: {  	s9 =	sadd.s32 s0, s20;
	s24 =	sadd.s32 $0x5000, s19;
	s25 =	sadd.s32 $0x7800, s19  }
0xf: {  	s12 =	sadd.s32 $0xA000, s19;
	s16 =	sadd.s32 $0xC800, s19;
	s17 =	sadd.s32 $0xF000, s19  }
0x10: {  	s7 =	sadd.s32 $0x11800, s19;
	s8 =	sadd.s32 s5, s2;
	s5 =	sshrl.u32 s21, $0x3  }
0x11: {  	s9 =	sshrl.u32 s9, $0x3;
	s26 =	sadd.s32 s0, s24;
	s11 =	sadd.s32 s0, s25  }
0x12: {  	s13 =	sadd.s32 s0, s12;
	s18 =	sadd.s32 s0, s16;
	s10 =	sadd.s32 $0x2800, s8  }
0x13: {  	s5 =	sadd.s32 s1, s5;
	s22 =	sadd.s32 s1, s9;
	s11 =	sshrl.u32 s11, $0x3  }
0x14: {  	s14 =	sshrl.u32 s13, $0x3;
	s13 =	sshrl.u32 s18, $0x3;
	s20 =	sadd.s32 $0x5000, s8  }
0x15: {  	s28 =	sadd.s32 $0xA000, s8;
	s29 =	sadd.s32 $0xC800, s8;
	[dreg:$0x6] =	wrdreg s10  }
0x16: {  	s30 =	sadd.s32 $0xF000, s8;
	s31 =	sadd.s32 $0x11800, s8;
	[dreg:$0x7] =	wrdreg s5  }
0x17: {  	[dreg:$0x8] =	wrdreg s22;
	s5 =	sshra.s32 s23, $0x2;
	s10 =	sshrl.u32 s26, $0x3  }
0x18: {  	s11 =	sadd.s32 s1, s11;
	s13 =	sadd.s32 s1, s13;
	[dreg:$0xf] =	wrdreg s20  }
0x19: {  	s22 =	sand.u32 $0x3FFFF800, s24;
	s23 =	sand.u32 $0x3FFFF800, s25;
	s24 =	sand.u32 $0x3FFFF800, s12  }
0x1a: {  	s25 =	sand.u32 $0x3FFFF800, s16;
	s26 =	sand.u32 $0x3FFFF800, s17;
	s12 =	simm.s32 $0x4  }
0x1b: {  	s16 =	simm.s32 $0x0;
	s10 =	sadd.s32 s1, s10;
	[dreg:$0xa] =	wrdreg s11  }
0x1c: {  	[dreg:$0xc] =	wrdreg s13;
	s21 =	sadd.s32 s5, s2;
	s5 =	sadd.s32 s23, s2  }
0x1d: {  	s6 =	sadd.s32 s24, s2;
	s9 =	sadd.s32 s25, s2;
	s11 =	simm.s32 $0x2  }
0x1e: {  	s13 =	simm.s32 $0x3;
	[dreg:$0x9] =	wrdreg s10;
	s10 =	sadd.s32 s1, s14  }
0x1f: {  	s14 =	sadd.s32 s0, s17;
	s0 =	sadd.s32 s0, s7;
	s7 =	sand.u32 $0x3FFFF800, s7  }
0x20: {  	s23 =	sshrl.u32 s9, $0x3;
	s9 =	simm.s32 $0x9F00;
	[dreg:$0xb] =	wrdreg s10  }
0x21: {  	s14 =	sshrl.u32 s14, $0x3;
	s0 =	sshrl.u32 s0, $0x3;
	s10 =	sadd.s32 s26, s2  }
0x22: {  	s7 =	sadd.s32 s7, s2;
	s26 =	sadd.s32 $0x7800, s8;
	s19 =	sadd.s32 s1, s14  }
0x23: {  	s0 =	sadd.s32 s1, s0;
	s1 =	sadd.s32 s22, s2;
	s22 =	sshrl.u32 s6, $0x3  }
0x24: {  	s24 =	sshrl.u32 s10, $0x3;
	s25 =	sshrl.u32 @!p0 s7, $0x3;
	s6 =	simm.s32 $0x4F00  }
0x25: {  	s7 =	simm.s32 $0x7700;
	s10 =	simm.s32 $0x1;
	[dreg:$0xd] =	wrdreg s19  }
0x26: {  	s14 =	simm.s32 $0x5;
	[dreg:$0xe] =	wrdreg s0;
	s0 =	sshrl.u32 s21, $0x3  }
0x27: {  	s20 =	sshrl.u32 s1, $0x3;
	s21 =	sshrl.u32 s5, $0x3;
	s1 =	simm.s32 $0x7  }
0x28: {  	v0 =	vimm.f32 $0.0e+00;
	s5 =	simm.s32 $0x50;
	[dreg:$0x10] =	wrdreg s0;
	s0 =	simm.s32 $0x2780  }
.LBB2_1:
0x29: {  	s17 =	rddreg [dreg:$0x3]  }
0x2a: {  	[tilespmem:s3], [sflag:$0x7] =	stream.linear.gather [hbm4b:s17+s3], $0x2710, $0x38;
	[tilespmem:$0x1FF80] =	vst v63  }
0x2b: {  	_ =	swait.ge [sflag:s1], $0x2710  }
0x2c: {  	[sflag:s1] =	ssyncset.done $0x0  }
0x2d: {  	s19 =	rddreg [dreg:$0x4];
	[sflag:s1] =	ssyncadd.s32 $0xFFFFD8F0  }
0x2e: {  	[tilespmem:s0], [sflag:$0x7] =	stream.linear.gather [hbm4b:s19+s3], $0x2710, $0x38;
	[tilespmem:$0x1FF80] =	vst v63  }
0x2f: {  	_ =	swait.ge [sflag:s1], $0x2710  }
0x30: {  	[sflag:s1] =	ssyncset.done $0x0  }
0x31: {  	[sflag:s1] =	ssyncadd.s32 $0xFFFFD8F0  }
0x32: {  	[tilespmem:s6], [sflag:$0x1] =	stream.indirect.gather [hbm4b:s4+s5], $0x80, s3, s5, $0xb8;
	[tilespmem:$0x1FF80] =	vst v63  }
0x33: {  	s18 =	simm.s32 $0x3C0;
	s17 =	simm.s32 $0x70  }
0x34: {  	[tilespmem:s7], [sflag:$0x2] =	stream.indirect.gather [hbm4b:s4+s5], $0x80, s5, s5, $0xb8;
	[tilespmem:$0x1FF80] =	vst v63  }
.LBB2_2:
0x35: {  	p1 =	sne.s32 s18, $0x9FC0;
	[tilespmem:s17+$0x9F00] =	vst v0  }
0x36: {  	[tilespmem:s17+$0x9E90] =	vst v0  }
0x37: {  	[tilespmem:s17+$0x9EA0] =	vst v0  }
.Ltmp0:
0x38: {  	[tilespmem:s17+$0x9EB0] =	vst v0;
	(pc) =	sbr.rel @p1 .LBB2_2-.Ltmp0, $4  }
0x39: {  	[tilespmem:s17+$0x9EC0] =	vst v0  }
0x3a: {  	[tilespmem:s17+$0x9ED0] =	vst v0  }
0x3b: {  	[tilespmem:s17+$0x9EE0] =	vst v0  }
0x3c: {  	[tilespmem:s17+$0x9EF0] =	vst v0;
	s17 =	sshra.s32 s18, $0x2;
	s18 =	sadd.s32 $0x200, s18  }
0x3d: {  	[tilespmem:s17+$0x9F00] =	vst v0  }
0x3e: {  	[tilespmem:s17+$0x9E90] =	vst v0  }
0x3f: {  	[tilespmem:s17+$0x9EA0] =	vst v0  }
0x40: {  	[tilespmem:s17+$0x9EB0] =	vst v0  }
0x41: {  	[tilespmem:s17+$0x9EC0] =	vst v0  }
0x42: {  	[tilespmem:s17+$0x9ED0] =	vst v0  }
0x43: {  	[tilespmem:s17+$0x9EE0] =	vst v0  }
0x44: {  	[tilespmem:s17+$0x9EF0] =	vst v0  }
0x45: {  	[spmem:s8] =	stream.linear.scatter [tilespmem:s9], [sflag:$0x7], $0x2800, $0x38;
	[tilespmem:$0x1FF80] =	vst v63  }
0x46: {  	_ =	swait.ge [sflag:s1], $0x2800  }
0x47: {  	[sflag:s1] =	ssyncset.done $0x0  }
0x48: {  	s18 =	rddreg [dreg:$0x6];
	[sflag:s1] =	ssyncadd.s32 $0xFFFFD800  }
0x49: {  	[spmem:s18] =	stream.linear.scatter [tilespmem:s9], [sflag:$0x7], $0x2800, $0x38;
	[tilespmem:$0x1FF80] =	vst v63  }
0x4a: {  	_ =	swait.ge [sflag:s1], $0x2800  }
0x4b: {  	[sflag:s1] =	ssyncset.done $0x0  }
0x4c: {  	s19 =	rddreg [dreg:$0xf];
	[sflag:s1] =	ssyncadd.s32 $0xFFFFD800  }
0x4d: {  	[spmem:s19] =	stream.linear.scatter [tilespmem:s9], [sflag:$0x7], $0x2800, $0x38;
	[tilespmem:$0x1FF80] =	vst v63  }
0x4e: {  	_ =	swait.ge [sflag:s1], $0x2800  }
0x4f: {  	[sflag:s1] =	ssyncset.done $0x0  }
0x50: {  	[sflag:s1] =	ssyncadd.s32 $0xFFFFD800  }
0x51: {  	[spmem:s26] =	stream.linear.scatter [tilespmem:s9], [sflag:$0x7], $0x2800, $0x38;
	[tilespmem:$0x1FF80] =	vst v63  }
0x52: {  	_ =	swait.ge [sflag:s1], $0x2800  }
0x53: {  	[sflag:s1] =	ssyncset.done $0x0  }
0x54: {  	[sflag:s1] =	ssyncadd.s32 $0xFFFFD800  }
0x55: {  	[spmem:s28] =	stream.linear.scatter [tilespmem:s9], [sflag:$0x7], $0x2800, $0x38;
	[tilespmem:$0x1FF80] =	vst v63  }
0x56: {  	_ =	swait.ge [sflag:s1], $0x2800  }
0x57: {  	[sflag:s1] =	ssyncset.done $0x0  }
0x58: {  	[sflag:s1] =	ssyncadd.s32 $0xFFFFD800  }
0x59: {  	[spmem:s29] =	stream.linear.scatter [tilespmem:s9], [sflag:$0x7], $0x2800, $0x38;
	[tilespmem:$0x1FF80] =	vst v63  }
0x5a: {  	_ =	swait.ge [sflag:s1], $0x2800  }
0x5b: {  	[sflag:s1] =	ssyncset.done $0x0  }
0x5c: {  	[sflag:s1] =	ssyncadd.s32 $0xFFFFD800  }
0x5d: {  	[spmem:s30] =	stream.linear.scatter [tilespmem:s9], [sflag:$0x7], $0x2800, $0x38;
	[tilespmem:$0x1FF80] =	vst v63  }
0x5e: {  	_ =	swait.ge [sflag:s1], $0x2800  }
0x5f: {  	[sflag:s1] =	ssyncset.done $0x0  }
0x60: {  	s17 =	simm.s32 @!p0 $0x9F00;
	[sflag:s1] =	ssyncadd.s32 $0xFFFFD800  }
0x61: {  	[spmem:s31] =	stream.linear.scatter @!p0 [tilespmem:s17], [sflag:$0x7], $0x2800, $0x38;
	[tilespmem:$0x1FF80] =	vst v63  }
0x62: {  	s17 =	simm.s32 @!p0 $0x7  }
0x63: {  	_ =	swait.ge @!p0 [sflag:s17], $0x2800  }
0x64: {  	[sflag:s17] =	ssyncset.done @!p0 $0x0  }
0x65: {  	[sflag:s17] =	ssyncadd.s32 @!p0 $0xFFFFD800  }
0x66: {  	[bflag:$0x0] =	sbarrier.arrive $0xFFFF  }
0x67: {  	_ =	swait.ge [sflag:s10], $0x2800  }
0x68: {  	[sflag:s10] =	ssyncset.done $0x0  }
0x69: {  	[sflag:s10] =	ssyncadd.s32 $0xFFFFD800  }
0x6a: {  	[spmem:s2] =	stream.indirect.scatter.add.f32 [tilespmem:s6], [sflag:$0x4], $0x80, s0, s5, $0xb8;
	[tilespmem:$0x1FF80] =	vst v63  }
0x6b: {  	s18 =	simm.s32 $0xA0  }
0x6c: {  	[tilespmem:s9], [sflag:$0x3] =	stream.indirect.gather [hbm4b:s4+s5], $0x80, s18, s5, $0xb8;
	[tilespmem:$0x1FF80] =	vst v63  }
0x6d: {  	_ =	swait.ge [sflag:s11], $0x2800  }
0x6e: {  	[sflag:s11] =	ssyncset.done $0x0  }
0x6f: {  	s19 =	simm.s32 $0x27D0;
	[sflag:s11] =	ssyncadd.s32 $0xFFFFD800  }
0x70: {  	[spmem:s2] =	stream.indirect.scatter.add.f32 [tilespmem:s7], [sflag:$0x5], $0x80, s19, s5, $0xb8;
	[tilespmem:$0x1FF80] =	vst v63  }
0x71: {  	_ =	swait.ge [sflag:s12], $0x2800  }
0x72: {  	[sflag:s12] =	ssyncset.done $0x0  }
0x73: {  	s18 =	simm.s32 $0xF0;
	[sflag:s12] =	ssyncadd.s32 $0xFFFFD800  }
0x74: {  	[tilespmem:s6], [sflag:$0x1] =	stream.indirect.gather [hbm4b:s4+s5], $0x80, s18, s5, $0xb8;
	[tilespmem:$0x1FF80] =	vst v63  }
0x75: {  	_ =	swait.ge [sflag:s13], $0x2800  }
0x76: {  	[sflag:s13] =	ssyncset.done $0x0  }
0x77: {  	s19 =	simm.s32 $0x2820;
	[sflag:s13] =	ssyncadd.s32 $0xFFFFD800  }
0x78: {  	[spmem:s2] =	stream.indirect.scatter.add.f32 [tilespmem:s9], [sflag:$0x6], $0x80, s19, s5, $0xb8;
	[tilespmem:$0x1FF80] =	vst v63  }
0x79: {  	_ =	swait.ge [sflag:s14], $0x2800  }
0x7a: {  	[sflag:s14] =	ssyncset.done $0x0  }
0x7b: {  	s18 =	simm.s32 $0x140;
	[sflag:s14] =	ssyncadd.s32 $0xFFFFD800  }
0x7c: {  	[tilespmem:s7], [sflag:$0x2] =	stream.indirect.gather [hbm4b:s4+s5], $0x80, s18, s5, $0xb8;
	[tilespmem:$0x1FF80] =	vst v63  }
0x7d: {  	_ =	swait.ge [sflag:s10], $0x2800  }
0x7e: {  	[sflag:s10] =	ssyncset.done $0x0  }
0x7f: {  	s19 =	simm.s32 $0x2870;
	[sflag:s10] =	ssyncadd.s32 $0xFFFFD800  }
0x80: {  	[spmem:s2] =	stream.indirect.scatter.add.f32 [tilespmem:s6], [sflag:$0x4], $0x80, s19, s5, $0xb8;
	[tilespmem:$0x1FF80] =	vst v63  }
0x81: {  	_ =	swait.ge [sflag:s15], $0x2800  }
0x82: {  	[sflag:s15] =	ssyncset.done $0x0  }
0x83: {  	s17 =	simm.s32 $0x3C0;
	s18 =	simm.s32 $0x190;
	[sflag:s15] =	ssyncadd.s32 $0xFFFFD800  }
.LBB2_4:
0x84: {  	[tilespmem:s9], [sflag:$0x3] =	stream.indirect.gather [hbm4b:s4+s5], $0x80, s18, s5, $0xb8;
	[tilespmem:$0x1FF80] =	vst v63  }
0x85: {  	s18 =	smov.u32 s17  }
0x86: {  	p1 =	sne.s32 s17, $0x9240;
	s17 =	sadd.s32 $0x3C0, s17;
	_ =	swait.ge [sflag:s11], $0x2800  }
0x87: {  	s18 =	sshra.s32 s18, $0x2;
	[sflag:s11] =	ssyncset.done $0x0  }
0x88: {  	s19 =	sadd.s32 $0x27D0, s18;
	[sflag:s11] =	ssyncadd.s32 $0xFFFFD800  }
0x89: {  	[spmem:s2] =	stream.indirect.scatter.add.f32 [tilespmem:s7], [sflag:$0x5], $0x80, s19, s5, $0xb8;
	[tilespmem:$0x1FF80] =	vst v63  }
0x8a: {  	_ =	swait.ge [sflag:s12], $0x2800  }
0x8b: {  	[sflag:s12] =	ssyncset.done $0x0  }
0x8c: {  	s19 =	sadd.s32 $0xF0, s18;
	[sflag:s12] =	ssyncadd.s32 $0xFFFFD800  }
0x8d: {  	[tilespmem:s6], [sflag:$0x1] =	stream.indirect.gather [hbm4b:s4+s5], $0x80, s19, s5, $0xb8;
	[tilespmem:$0x1FF80] =	vst v63  }
0x8e: {  	_ =	swait.ge [sflag:s13], $0x2800  }
0x8f: {  	[sflag:s13] =	ssyncset.done $0x0  }
0x90: {  	s19 =	sadd.s32 $0x2820, s18;
	[sflag:s13] =	ssyncadd.s32 $0xFFFFD800  }
0x91: {  	[spmem:s2] =	stream.indirect.scatter.add.f32 [tilespmem:s9], [sflag:$0x6], $0x80, s19, s5, $0xb8;
	[tilespmem:$0x1FF80] =	vst v63  }
0x92: {  	_ =	swait.ge [sflag:s14], $0x2800  }
0x93: {  	[sflag:s14] =	ssyncset.done $0x0  }
0x94: {  	s19 =	sadd.s32 $0x140, s18;
	[sflag:s14] =	ssyncadd.s32 $0xFFFFD800  }
0x95: {  	[tilespmem:s7], [sflag:$0x2] =	stream.indirect.gather [hbm4b:s4+s5], $0x80, s19, s5, $0xb8;
	[tilespmem:$0x1FF80] =	vst v63  }
0x96: {  	_ =	swait.ge [sflag:s10], $0x2800  }
0x97: {  	[sflag:s10] =	ssyncset.done $0x0  }
.Ltmp1:
0x98: {  	s19 =	sadd.s32 $0x2870, s18;
	[sflag:s10] =	ssyncadd.s32 $0xFFFFD800;
	(pc) =	sbr.rel @p1 .LBB2_4-.Ltmp1, $4  }
0x99: {  	[spmem:s2] =	stream.indirect.scatter.add.f32 [tilespmem:s6], [sflag:$0x4], $0x80, s19, s5, $0xb8;
	[tilespmem:$0x1FF80] =	vst v63  }
0x9a: {  	_ =	swait.ge [sflag:s15], $0x2800  }
0x9b: {  	[sflag:s15] =	ssyncset.done $0x0  }
0x9c: {  	s18 =	sadd.s32 $0x190, s18;
	[sflag:s15] =	ssyncadd.s32 $0xFFFFD800  }
0x9d: {  	[tilespmem:s9], [sflag:$0x3] =	stream.indirect.gather [hbm4b:s4+s5], $0x80, s18, s5, $0xb8;
	[tilespmem:$0x1FF80] =	vst v63  }
0x9e: {  	_ =	swait.ge [sflag:s11], $0x2800  }
0x9f: {  	[sflag:s11] =	ssyncset.done $0x0  }
0xa0: {  	s17 =	simm.s32 $0x4D50;
	[sflag:s11] =	ssyncadd.s32 $0xFFFFD800  }
0xa1: {  	[spmem:s2] =	stream.indirect.scatter.add.f32 [tilespmem:s7], [sflag:$0x5], $0x80, s17, s5, $0xb8;
	[tilespmem:$0x1FF80] =	vst v63  }
0xa2: {  	_ =	swait.ge [sflag:s12], $0x2800  }
0xa3: {  	[sflag:s12] =	ssyncset.done $0x0  }
0xa4: {  	s19 =	simm.s32 $0x2670;
	[sflag:s12] =	ssyncadd.s32 $0xFFFFD800  }
0xa5: {  	[tilespmem:s6], [sflag:$0x1] =	stream.indirect.gather [hbm4b:s4+s5], $0x80, s19, s5, $0xb8;
	[tilespmem:$0x1FF80] =	vst v63  }
0xa6: {  	_ =	swait.ge [sflag:s13], $0x2800  }
0xa7: {  	[sflag:s13] =	ssyncset.done $0x0  }
0xa8: {  	s18 =	simm.s32 $0x4DA0;
	[sflag:s13] =	ssyncadd.s32 $0xFFFFD800  }
0xa9: {  	[spmem:s2] =	stream.indirect.scatter.add.f32 [tilespmem:s9], [sflag:$0x6], $0x80, s18, s5, $0xb8;
	[tilespmem:$0x1FF80] =	vst v63  }
0xaa: {  	_ =	swait.ge [sflag:s14], $0x2800  }
0xab: {  	[sflag:s14] =	ssyncset.done $0x0  }
0xac: {  	s19 =	simm.s32 $0x26C0;
	[sflag:s14] =	ssyncadd.s32 $0xFFFFD800  }
0xad: {  	[tilespmem:s7], [sflag:$0x2] =	stream.indirect.gather [hbm4b:s4+s5], $0x80, s19, s5, $0xb8;
	[tilespmem:$0x1FF80] =	vst v63  }
0xae: {  	_ =	swait.ge [sflag:s10], $0x2800  }
0xaf: {  	[sflag:s10] =	ssyncset.done $0x0  }
0xb0: {  	s18 =	simm.s32 $0x4DF0;
	[sflag:s10] =	ssyncadd.s32 $0xFFFFD800  }
0xb1: {  	[spmem:s2] =	stream.indirect.scatter.add.f32 [tilespmem:s6], [sflag:$0x4], $0x80, s18, s5, $0xb8;
	[tilespmem:$0x1FF80] =	vst v63  }
0xb2: {  	_ =	swait.ge [sflag:s11], $0x2800  }
0xb3: {  	[sflag:s11] =	ssyncset.done $0x0  }
0xb4: {  	s19 =	simm.s32 $0x4E40;
	[sflag:s11] =	ssyncadd.s32 $0xFFFFD800  }
0xb5: {  	[spmem:s2] =	stream.indirect.scatter.add.f32 [tilespmem:s7], [sflag:$0x5], $0x80, s19, s5, $0xb8;
	[tilespmem:$0x1FF80] =	vst v63  }
0xb6: {  	_ =	swait.ge [sflag:s15], $0x2800  }
0xb7: {  	[sflag:s15] =	ssyncset.done $0x0  }
0xb8: {  	[sflag:s15] =	ssyncadd.s32 $0xFFFFD800  }
0xb9: {  	_ =	swait.ge [sflag:s12], $0x2800  }
0xba: {  	[sflag:s12] =	ssyncset.done $0x0  }
0xbb: {  	[sflag:s12] =	ssyncadd.s32 $0xFFFFD800  }
0xbc: {  	_ =	swait.ge [sflag:s14], $0x2800  }
0xbd: {  	[sflag:s14] =	ssyncset.done $0x0  }
0xbe: {  	s18 =	stileid.u32;
	[sflag:s14] =	ssyncadd.s32 $0xFFFFD800  }
0xbf: {  	s17 =	sshll.u32 s18, $0x6;
	[bflag:$0x0] =	sbarrier.arrive $0xFFFF  }
0xc0: {  	s18 =	sshrl.u32 s8, $0x3;
	s17 =	sor.u32 $0x1C07, s17;
	s19 =	rddreg [dreg:$0x7]  }
0xc1: {  	[hbm:s19], [sflag:s17] =	dma.local [spmem:s18], $0x500  }
0xc2: {  	_ =	swait.ge [sflag:s1], $0x500  }
0xc3: {  	[sflag:s1] =	ssyncset.done $0x0;
	s18 =	rddreg [dreg:$0x8]  }
0xc4: {  	s19 =	rddreg [dreg:$0x10];
	[sflag:s1] =	ssyncadd.s32 $0xFFFFFB00  }
0xc5: {  	[hbm:s18], [sflag:s17] =	dma.local [spmem:s19], $0x500  }
0xc6: {  	_ =	swait.ge [sflag:s1], $0x500  }
0xc7: {  	[sflag:s1] =	ssyncset.done $0x0  }
0xc8: {  	s19 =	rddreg [dreg:$0x9];
	[sflag:s1] =	ssyncadd.s32 $0xFFFFFB00  }
0xc9: {  	[hbm:s19], [sflag:s17] =	dma.local [spmem:s20], $0x500  }
0xca: {  	_ =	swait.ge [sflag:s1], $0x500  }
0xcb: {  	[sflag:s1] =	ssyncset.done $0x0  }
0xcc: {  	s19 =	rddreg [dreg:$0xa];
	[sflag:s1] =	ssyncadd.s32 $0xFFFFFB00  }
0xcd: {  	[hbm:s19], [sflag:s17] =	dma.local [spmem:s21], $0x500  }
0xce: {  	_ =	swait.ge [sflag:s1], $0x500  }
0xcf: {  	[sflag:s1] =	ssyncset.done $0x0  }
0xd0: {  	s19 =	rddreg [dreg:$0xb];
	[sflag:s1] =	ssyncadd.s32 $0xFFFFFB00  }
0xd1: {  	[hbm:s19], [sflag:s17] =	dma.local [spmem:s22], $0x500  }
0xd2: {  	_ =	swait.ge [sflag:s1], $0x500  }
0xd3: {  	[sflag:s1] =	ssyncset.done $0x0  }
0xd4: {  	s19 =	rddreg [dreg:$0xc];
	[sflag:s1] =	ssyncadd.s32 $0xFFFFFB00  }
0xd5: {  	[hbm:s19], [sflag:s17] =	dma.local [spmem:s23], $0x500  }
0xd6: {  	_ =	swait.ge [sflag:s1], $0x500  }
0xd7: {  	[sflag:s1] =	ssyncset.done $0x0  }
0xd8: {  	s19 =	rddreg [dreg:$0xd];
	[sflag:s1] =	ssyncadd.s32 $0xFFFFFB00  }
0xd9: {  	[hbm:s19], [sflag:s17] =	dma.local [spmem:s24], $0x500  }
0xda: {  	_ =	swait.ge [sflag:s1], $0x500  }
0xdb: {  	[sflag:s1] =	ssyncset.done $0x0  }
0xdc: {  	s18 =	rddreg [dreg:$0xe];
	[sflag:s1] =	ssyncadd.s32 $0xFFFFFB00  }
0xdd: {  	[hbm:s18], [sflag:s17] =	dma.local @!p0 [spmem:s25], $0x500  }
0xde: {  	s17 =	simm.s32 @!p0 $0x7  }
0xdf: {  	_ =	swait.ge @!p0 [sflag:s17], $0x500  }
0xe0: {  	s16 =	sadd.s32 $0x1, s16;
	s19 =	rddreg [dreg:$0x5]  }
0xe1: {  	p1 =	sne.s32 s16, s19  }
.Ltmp2:
0xe2: {  	_ = 	snop;
	(pc) =	sbr.rel @p1 .LBB2_1-.Ltmp2, $3  }
0xe3: {  	_ =	sdelay $0x1  }
0xe4: {  	[sflag:s17] =	ssyncset.done @!p0 $0x0  }
0xe5: {  	[sflag:s17] =	ssyncadd.s32 @!p0 $0xFFFFFB00  }
0xe6: {  	_ =	sfence.sel $0x180000  }
0xe7: {  	[bflag:$0x0] =	sbarrier.arrive $0xFFFF  }
0xe8: {  	_ =	strace $0x9000004A  }
0xe9: {  	s0 =	stileid.u32;
	[bflag:$0x2] =	sbarrier.arrive $0xFFFF  }
0xea: {  	p0 =	sne.s32 s0, $0x0;
	s0 =	rddreg [dreg:$0x2]  }
0xeb: {  	s0 =	sadd.s32 @!p0 $0x100000, s0  }
0xec: {  	[sflag:s0] =	ssyncadd.tile.s32 @!p0 $0x1;
	_ =	shalt  }
.Lfunc_end2:
_tile_overlayer_lowered:
.L_overlay_start_2:
0xed: {  	(tag) =	ssettag $0x2  }
0xee: {  	s0 =	rddreg [dreg:$0x0];
	s2 =	stileid.u32  }
0xef: {  	s1 =	rddreg [dreg:$0x1];
	p0 =	sne.s32 s2, $0x0  }
0xf0: {  	s3 =	rddreg [dreg:$0x2];
	[bflag:$0x3] =	sbarrier.arrive $0xFFFF;
	s2 =	simm.s32 @!p0 $0x1C07  }
0xf1: {  	[timem:s3], [sflag:s2] =	dma.local @!p0 [hbm:s0], s1  }
0xf2: {  	s0 =	simm.s32 @!p0 $0x7  }
0xf3: {  	_ =	swait.ge @!p0 [sflag:s0], s1  }
0xf4: {  	s1 =	ssub.s32 @!p0 $0x0, s1;
	[sflag:s0] =	ssyncset.done @!p0 $0x0  }
0xf5: {  	[sflag:s0] =	ssyncadd.s32 @!p0 s1  }
0xf6: {  	[bflag:$0x3] =	sbarrier.arrive $0xFFFF  }
0xf7: {  	_ =	shalt  }

// kernel: kernel.14.cloned.1.call-start
scs
__scs_entry_jumppad:
0x0: {  	(pc) =	sbr.rel $0x88, $3  }
0x1: {  	(tag) =	ssettag $0x0;
	lr =	simm.s32 $0x1  }
0x2: {  	[smem:$0x3F98] =	sst lr;
	_ =	strace $0xD0000000  }
0x3: {  	_ = 	snop  }
0x4: {  	_ = 	snop  }
0x5: {  	_ = 	snop  }
0x6: {  	_ = 	snop  }
0x7: {  	_ = 	snop  }
__scs_overlays_trampoline_lowered:
0x8: {  	[smem:$0x3FA7] =	sst s0  }
0x9: {  	[smem:$0x3FA8] =	sst s1  }
0xa: {  	[smem:$0x3FA9] =	sst s2  }
0xb: {  	[smem:$0x3FAA] =	sst s3  }
0xc: {  	[smem:$0x3FAB] =	sst s4  }
0xd: {  	[smem:$0x3FAC] =	sst s5  }
0xe: {  	[smem:$0x3FAD] =	sst s6  }
0xf: {  	[smem:$0x3FAE] =	sst s7  }
0x10: {  	[smem:$0x3FAF] =	sst s8  }
0x11: {  	[smem:$0x3FB0] =	sst s9;
	s0 =	simm.s32 @!p0 $0x0  }
0x12: {  	s1 =	sld [smem:$0x3F96];
	s0 =	simm.s32 @p0 $0x1  }
0x13: {  	[smem:$0x3FB1] =	sst s0;
	s0 =	simm.s32 @!p1 $0x0  }
0x14: {  	s2 =	sld [smem:$0x3F95];
	s0 =	simm.s32 @p1 $0x1  }
0x15: {  	[smem:$0x3FB2] =	sst s0;
	s0 =	simm.s32 @!p2 $0x0  }
0x16: {  	s3 =	sld [smem:$0x3FDB];
	s0 =	simm.s32 @p2 $0x1  }
0x17: {  	s4 =	simm.s32 $0x1BF5;
	[smem:$0x3FB4] =	sst s0  }
0x18: {  	s0 =	sld [smem:$0x3F97];
	_ =	swait.ge [sflag:s4], $0x0  }
0x19: {  	s7 =	sld [smem:$0x3F98]  }
0x1a: {  	s8 =	sadd.s32 $0xFFFFE003, lr  }
0x1b: {  	s9 =	sadd.s32 $0xFFFFFEF7, lr;
	s5 =	simm.s32 $0xFFFFFFFF;
	p2 =	slt.u32 s8, $0xFFFFF086  }
0x1c: {  	p1 =	slt.u32 s9, $0xF7A;
	s5 =	simm.s32 @!p2 $0x0  }
0x1d: {  	s5 =	simm.s32 @p1 $0x1;
	p0 =	seq.s32 s7, s2  }
0x1e: {  	s7 =	smul.u32 @!p0 $0xF7A, s2;
	p2 =	seq.s32 @!p0 s5, $0x0  }
0x1f: {  	s9 =	smul.u32 $0xF7A, s1;
	s8 =	simm.s32 @!p0 $0x1BF5;
	p2 =	por !p2, p0  }
0x20: {  	[sflag:s8] =	ssyncset.s32 @!p0 $0xFFFFF086;
	s6 =	sadd.s32 @!p0 s3, s7;
	s7 =	simm.s32 @!p0 $0x108  }
0x21: {  	s3 =	sadd.s32 s3, s9;
	s6 =	sadd.s32 @!p0 $0x88, s6;
	s7 =	simm.s32 @p2 $0x1082  }
0x22: {  	[simem:s7], [sflag:s8] =	dma.local @!p0 [hbm:s6], $0xF7A  }
0x23: {  	s9 =	sor.u32 $0xD0000000, s2;
	s6 =	simm.s32 $0x108;
	_ =	swait.ge @!p0 [sflag:s8], $0x0  }
0x24: {  	s3 =	sadd.s32 $0x88, s3;
	s6 =	simm.s32 @!p1 $0x1082;
	[sflag:s4] =	ssyncset.s32 $0xFFFFF086  }
0x25: {  	[simem:s6], [sflag:s4] =	dma.local [hbm:s3], $0xF7A  }
0x26: {  	[smem:$0x3F98] =	sst s1;
	(tag) =	ssettag s2;
	_ =	strace s9  }
0x27: {  	s1 =	sld [smem:$0x3FA8]  }
0x28: {  	s2 =	sld [smem:$0x3FA9]  }
0x29: {  	s4 =	sld [smem:$0x3FAB]  }
0x2a: {  	p0 =	seq.s32 s5, $0x0;
	s5 =	sld [smem:$0x3FAC]  }
0x2b: {  	s6 =	sld [smem:$0x3FAD]  }
0x2c: {  	s7 =	sld [smem:$0x3FAE]  }
0x2d: {  	s3 =	simm.s32 $0x108;
	s8 =	sld [smem:$0x3FAF]  }
0x2e: {  	s3 =	simm.s32 @!p0 $0x1082;
	s9 =	sld [smem:$0x3FB0]  }
0x2f: {  	lr =	sadd.s32 s0, s3;
	s0 =	sld [smem:$0x3FA7]  }
0x30: {  	s3 =	sld [smem:$0x3FAA]  }
0x31: {  	[smem:$0x3FB3] =	sst s10  }
0x32: {  	s10 =	sld [smem:$0x3FB1];
	_ =	sdelay $0x3  }
0x33: {  	p0 =	seq.s32 s10, $0x1;
	s10 =	sld [smem:$0x3FB3];
	_ =	sdelay $0x3  }
0x34: {  	[smem:$0x3FB3] =	sst s10  }
0x35: {  	s10 =	sld [smem:$0x3FB2];
	_ =	sdelay $0x3  }
0x36: {  	p1 =	seq.s32 s10, $0x1;
	s10 =	sld [smem:$0x3FB3];
	_ =	sdelay $0x3  }
0x37: {  	[smem:$0x3FB3] =	sst s10  }
0x38: {  	s10 =	sld [smem:$0x3FB4]  }
0x39: {  	_ = 	snop;
	(pc) =	sbr.ind lr, $3  }
0x3a: {  	_ = 	snop  }
0x3b: {  	_ = 	snop  }
0x3c: {  	p2 =	seq.s32 s10, $0x1;
	s10 =	sld [smem:$0x3FB3]  }
0x3d: {  	_ =	shalt  }
0x3e: {  	_ =	shalt  }
0x3f: {  	_ =	shalt  }
0x40: {  	_ =	shalt  }
0x41: {  	_ =	shalt  }
0x42: {  	_ =	shalt  }
0x43: {  	_ =	shalt  }
0x44: {  	_ =	shalt  }
0x45: {  	_ =	shalt  }
0x46: {  	_ =	shalt  }
0x47: {  	_ =	shalt  }
0x48: {  	_ =	shalt  }
0x49: {  	_ =	shalt  }
0x4a: {  	_ =	shalt  }
0x4b: {  	_ =	shalt  }
0x4c: {  	_ =	shalt  }
0x4d: {  	_ =	shalt  }
0x4e: {  	_ =	shalt  }
0x4f: {  	_ =	shalt  }
0x50: {  	_ =	shalt  }
0x51: {  	_ =	shalt  }
0x52: {  	_ =	shalt  }
0x53: {  	_ =	shalt  }
0x54: {  	_ =	shalt  }
0x55: {  	_ =	shalt  }
0x56: {  	_ =	shalt  }
0x57: {  	_ =	shalt  }
0x58: {  	_ =	shalt  }
0x59: {  	_ =	shalt  }
0x5a: {  	_ =	shalt  }
0x5b: {  	_ =	shalt  }
0x5c: {  	_ =	shalt  }
0x5d: {  	_ =	shalt  }
0x5e: {  	_ =	shalt  }
0x5f: {  	_ =	shalt  }
0x60: {  	_ =	shalt  }
0x61: {  	_ =	shalt  }
0x62: {  	_ =	shalt  }
0x63: {  	_ =	shalt  }
0x64: {  	_ =	shalt  }
0x65: {  	_ =	shalt  }
0x66: {  	_ =	shalt  }
0x67: {  	_ =	shalt  }
0x68: {  	_ =	shalt  }
0x69: {  	_ =	shalt  }
0x6a: {  	_ =	shalt  }
0x6b: {  	_ =	shalt  }
0x6c: {  	_ =	shalt  }
0x6d: {  	_ =	shalt  }
0x6e: {  	_ =	shalt  }
0x6f: {  	_ =	shalt  }
0x70: {  	_ =	shalt  }
0x71: {  	_ =	shalt  }
0x72: {  	_ =	shalt  }
0x73: {  	_ =	shalt  }
0x74: {  	_ =	shalt  }
0x75: {  	_ =	shalt  }
0x76: {  	_ =	shalt  }
0x77: {  	_ =	shalt  }
0x78: {  	_ =	shalt  }
0x79: {  	_ =	shalt  }
0x7a: {  	_ =	shalt  }
0x7b: {  	_ =	shalt  }
0x7c: {  	_ =	shalt  }
0x7d: {  	_ =	shalt  }
0x7e: {  	_ =	shalt  }
0x7f: {  	_ =	shalt  }
0x80: {  	_ =	shalt  }
0x81: {  	_ =	shalt  }
0x82: {  	_ =	shalt  }
0x83: {  	_ =	shalt  }
0x84: {  	_ =	shalt  }
0x85: {  	_ =	shalt  }
0x86: {  	_ =	shalt  }
0x87: {  	_ =	shalt  }
.Lfunc_end0:
.L_simem_size_0:
called_computation.2_lowered:
.L_overlay_start_0:
0x88: {  	s2 =	sld [smem:$0x3FD9]  }
0x89: {  	s3 =	sld [smem:$0x3FFE];
	_ =	sdelay $0x1  }
0x8a: {  	s1 =	srdreg.scid  }
0x8b: {  	s0 =	sand.u32 $0x1, s1  }
0x8c: {  	s16 =	sshll.u32 s0, $0xA;
	s2 =	sadd.s32 s3, s2  }
0x8d: {  	s2 =	sadd.s32 s2, s16  }
0x8e: {  	[smem:$0x3FBF] =	sst s2  }
0x8f: {  	_ = 	snop  }
0x90: {  	(tm) =	ssettm $0x1  }
0x91: {  	s17 =	sld [smem:$0x3FFB];
	_ =	sdelay $0x3  }
0x92: {  	_ =	strace s17  }
0x93: {  	s2 =	sld [smem:$0x3FFC];
	_ =	sdelay $0x3  }
0x94: {  	_ =	strace s2  }
0x95: {  	s2 =	sld [smem:$0x3FFD];
	_ =	sdelay $0x3  }
0x96: {  	_ =	strace s2  }
0x97: {  	_ =	strace $0x8FFFFFFF  }
0x98: {  	s18 =	sld [smem:$0x3FDB];
	_ =	sdelay $0x1  }
0x99: {  	s19 =	simm.s32 $_scs_section_size  }
0x9a: {  	s4 =	simm.s32 $_size__tile_overlayer_lowered;
	s5 =	simm.s32 $_tile_overlayer_lowered  }
0x9b: {  	s22 =	simm.s32 $0x1BFF;
	s21 =	sshll.u32 s5, $0x1;
	s2 =	sadd.s32 s19, s18  }
0x9c: {  	s6 =	simm.s32 $0x0;
	s20 =	sshll.u32 s4, $0x1;
	s4 =	sadd.s32 s21, s2  }
0x9d: {  	[timem:s6], [sflag:s22] =	dma.local [hbm:s4], s20  }
0x9e: {  	_ =	swait.ge [sflag:s22], s20  }
0x9f: {  	s3 =	ssub.s32 $0x0, s20;
	[sflag:s22] =	ssyncset.done $0x0  }
0xa0: {  	[sflag:s22] =	ssyncadd.s32 s3;
	_ =	sdelay $0x1  }
0xa1: {  	s23 =	simm.s32 $0x1B8B  }
0xa2: {  	_ =	swait.ge [sflag:s23], $0x1  }
0xa3: {  	[sflag:s23] =	ssyncset.done $0x0  }
0xa4: {  	s25 =	simm.s32 $0x1B8E;
	s24 =	sld [smem:$0x3FFE];
	[sflag:s23] =	ssyncadd.s32 $0xFFFFFFFF  }
0xa5: {  	s26 =	simm.s32 $execute0_lowered;
	[smem:$0x3FD2] =	sst s25  }
0xa6: {  	s4 =	sshll.u32 s26, $0x1;
	_ =	strace $0x8000004C;
	[dreg:$0x1] =	wrdreg $0xFFFFFFFF  }
0xa7: {  	s28 =	simm.s32 $_size_execute0_lowered;
	s2 =	sadd.s32 s2, s4;
	[dreg:$0x0] =	wrdreg $0x0  }
0xa8: {  	s4 =	sshll.u32 s28, $0x1;
	[dreg:$0x2] =	wrdreg s2  }
0xa9: {  	[dreg:$0x3] =	wrdreg s4  }
0xaa: {  	[dreg:$0x4] =	wrdreg $0xC0  }
0xab: {  	_ =	task [dreg:s6], $0x5FFFF  }
0xac: {  	[dreg:$0x1] =	wrdreg $0xFFFFFFFF  }
0xad: {  	[dreg:$0x0] =	wrdreg $0x60  }
0xae: {  	[dreg:$0x2] =	wrdreg s24  }
0xaf: {  	[dreg:$0x3] =	wrdreg $0xC7000  }
0xb0: {  	[dreg:$0x4] =	wrdreg $0x9  }
0xb1: {  	_ =	task.clear_ibuf [dreg:s6], $0x5FFFF;
	_ =	strace $0x9000004C  }
0xb2: {  	s29 =	simm.s32 $0x9;
	_ =	strace $0x8000004E  }
0xb3: {  	_ =	swait.ge [sflag:s29], $0x1  }
0xb4: {  	[sflag:s29] =	ssyncadd.s32 $0xFFFFFFFF  }
0xb5: {  	_ =	strace $0x9000004E  }
0xb6: {  	_ =	sfence  }
0xb7: {  	s30 =	sld [smem:$0x0];
	_ =	sdelay $0x2  }
0xb8: {  	s31 =	sshll.u32 s1, $0xD;
	s1 =	sshrl.u32 s1, $0x2  }
0xb9: {  	s3 =	sand.u32 $0x4000, s31;
	s1 =	sadd.s32 s1, s30  }
0xba: {  	s0 =	sor.u32 s3, s0;
	s1 =	sshll.u32 s1, $0x11  }
0xbb: {  	s0 =	sor.u32 s1, s0  }
0xbc: {  	s0 =	sadd.s32 $0x8F2B, s0  }
0xbd: {  	[sflag:s0] =	ssyncadd.remote.s32 $0x1  }
0xbe: {  	_ =	sfence.sel $0xFFFF  }
0xbf: {  	[dreg:$0x0] =	wrdreg $0xFFFFFFFF;
	(pc) =	sbr.abs _section_cstart, $3  }
0xc0: {  	[dreg:$0x1] =	wrdreg $0xFFFFFFFF  }
0xc1: {  	_ =	task.clear_ibuf [dreg:s6], $0x2FFFF;
	_ =	strace $0x9FFFFFFF  }
0xc2: {  	(tm) =	ssettm $0x7FFFFFFF  }
0xc3: {  	_ =	shalt  }
tec
execute0_lowered:
.L_overlay_start_1:
0x0: {  	(tag) =	ssettag $0x1  }
0x1: {  	s0 =	srdreg.scid;
	s1 =	rddreg [dreg:$0x0]  }
0x2: {  	s15 =	stileid.u32;
	s2 =	rddreg [dreg:$0x1];
	s0 =	sand.u32 $0x1, s0  }
0x3: {  	s3 =	sshll.u32 s15, $0x1;
	s6 =	smul.u32 $0x280, s15;
	s4 =	smax.u32 s15, $0xD  }
0x4: {  	p0 =	sgt.u32 s15, $0xC;
	s15 =	simm.s32 $0x6;
	s7 =	smul.u32 $0xFFFFFFB0, s4  }
0x5: {  	s3 =	sor.u32 s0, s3;
	s8 =	ssub.s32 $0x2, s0;
	s0 =	smul.u32 $0x138800, s0  }
0x6: {  	s4 =	sadd.s32 $0x16400, s1;
	s5 =	smul.u32 $0x4E2, s3;
	s3 =	simm.s32 $0x0  }
0x7: {  	s9 =	sshrl.u32 s8, $0x1;
	[smem:$0x7FF] =	sst s3;
	s6 =	sadd.s32 s7, s6  }
0x8: {  	s13 =	ssub.s32 s8, s9;
	_ =	strace $0x8000004D;
	s5 =	sadd.s32 s5, s1  }
0x9: {  	s1 =	sadd.s32 $0x3D600, s1;
	s14 =	sadd.s32 $0x410, s6;
	s17 =	smax.u32 s13, $0x1  }
0xa: {  	s6 =	sadd.s32 $0x460, s6;
	s16 =	sadd.s32 $0x2800, s5;
	s5 =	sadd.s32 $0xC600, s5  }
0xb: {  	[dreg:$0x5] =	wrdreg s17;
	s18 =	sshll.u32 s14, $0x9;
	s19 =	sshll.u32 s14, $0x7  }
0xc: {  	s20 =	sshll.u32 s6, $0x7;
	s23 =	sshll.u32 s6, $0x9;
	[dreg:$0x3] =	wrdreg s16  }
0xd: {  	[dreg:$0x4] =	wrdreg s5;
	s5 =	sshra.s32 s18, $0x2;
	s21 =	sadd.s32 s0, s19  }
0xe: {  	s9 =	sadd.s32 s0, s20;
	s24 =	sadd.s32 $0x5000, s19;
	s25 =	sadd.s32 $0x7800, s19  }
0xf: {  	s12 =	sadd.s32 $0xA000, s19;
	s16 =	sadd.s32 $0xC800, s19;
	s17 =	sadd.s32 $0xF000, s19  }
0x10: {  	s7 =	sadd.s32 $0x11800, s19;
	s8 =	sadd.s32 s5, s2;
	s5 =	sshrl.u32 s21, $0x3  }
0x11: {  	s9 =	sshrl.u32 s9, $0x3;
	s26 =	sadd.s32 s0, s24;
	s11 =	sadd.s32 s0, s25  }
0x12: {  	s13 =	sadd.s32 s0, s12;
	s18 =	sadd.s32 s0, s16;
	s10 =	sadd.s32 $0x2800, s8  }
0x13: {  	s5 =	sadd.s32 s1, s5;
	s22 =	sadd.s32 s1, s9;
	s11 =	sshrl.u32 s11, $0x3  }
0x14: {  	s14 =	sshrl.u32 s13, $0x3;
	s13 =	sshrl.u32 s18, $0x3;
	s20 =	sadd.s32 $0x5000, s8  }
0x15: {  	s28 =	sadd.s32 $0xA000, s8;
	s29 =	sadd.s32 $0xC800, s8;
	[dreg:$0x6] =	wrdreg s10  }
0x16: {  	s30 =	sadd.s32 $0xF000, s8;
	s31 =	sadd.s32 $0x11800, s8;
	[dreg:$0x7] =	wrdreg s5  }
0x17: {  	[dreg:$0x8] =	wrdreg s22;
	s5 =	sshra.s32 s23, $0x2;
	s10 =	sshrl.u32 s26, $0x3  }
0x18: {  	s11 =	sadd.s32 s1, s11;
	s13 =	sadd.s32 s1, s13;
	[dreg:$0xf] =	wrdreg s20  }
0x19: {  	s22 =	sand.u32 $0x3FFFF800, s24;
	s23 =	sand.u32 $0x3FFFF800, s25;
	s24 =	sand.u32 $0x3FFFF800, s12  }
0x1a: {  	s25 =	sand.u32 $0x3FFFF800, s16;
	s26 =	sand.u32 $0x3FFFF800, s17;
	s12 =	simm.s32 $0x4  }
0x1b: {  	s16 =	simm.s32 $0x0;
	s10 =	sadd.s32 s1, s10;
	[dreg:$0xa] =	wrdreg s11  }
0x1c: {  	[dreg:$0xc] =	wrdreg s13;
	s21 =	sadd.s32 s5, s2;
	s5 =	sadd.s32 s23, s2  }
0x1d: {  	s6 =	sadd.s32 s24, s2;
	s9 =	sadd.s32 s25, s2;
	s11 =	simm.s32 $0x2  }
0x1e: {  	s13 =	simm.s32 $0x3;
	[dreg:$0x9] =	wrdreg s10;
	s10 =	sadd.s32 s1, s14  }
0x1f: {  	s14 =	sadd.s32 s0, s17;
	s0 =	sadd.s32 s0, s7;
	s7 =	sand.u32 $0x3FFFF800, s7  }
0x20: {  	s23 =	sshrl.u32 s9, $0x3;
	s9 =	simm.s32 $0x9F00;
	[dreg:$0xb] =	wrdreg s10  }
0x21: {  	s14 =	sshrl.u32 s14, $0x3;
	s0 =	sshrl.u32 s0, $0x3;
	s10 =	sadd.s32 s26, s2  }
0x22: {  	s7 =	sadd.s32 s7, s2;
	s26 =	sadd.s32 $0x7800, s8;
	s19 =	sadd.s32 s1, s14  }
0x23: {  	s0 =	sadd.s32 s1, s0;
	s1 =	sadd.s32 s22, s2;
	s22 =	sshrl.u32 s6, $0x3  }
0x24: {  	s24 =	sshrl.u32 s10, $0x3;
	s25 =	sshrl.u32 @!p0 s7, $0x3;
	s6 =	simm.s32 $0x4F00  }
0x25: {  	s7 =	simm.s32 $0x7700;
	s10 =	simm.s32 $0x1;
	[dreg:$0xd] =	wrdreg s19  }
0x26: {  	s14 =	simm.s32 $0x5;
	[dreg:$0xe] =	wrdreg s0;
	s0 =	sshrl.u32 s21, $0x3  }
0x27: {  	s20 =	sshrl.u32 s1, $0x3;
	s21 =	sshrl.u32 s5, $0x3;
	s1 =	simm.s32 $0x7  }
0x28: {  	v0 =	vimm.f32 $0.0e+00;
	s5 =	simm.s32 $0x50;
	[dreg:$0x10] =	wrdreg s0;
	s0 =	simm.s32 $0x2780  }
.LBB2_1:
0x29: {  	s17 =	rddreg [dreg:$0x3]  }
0x2a: {  	[tilespmem:s3], [sflag:$0x7] =	stream.linear.gather [hbm4b:s17+s3], $0x2710, $0x38;
	[tilespmem:$0x1FF80] =	vst v63  }
0x2b: {  	_ =	swait.ge [sflag:s1], $0x2710  }
0x2c: {  	[sflag:s1] =	ssyncset.done $0x0  }
0x2d: {  	s19 =	rddreg [dreg:$0x4];
	[sflag:s1] =	ssyncadd.s32 $0xFFFFD8F0  }
0x2e: {  	[tilespmem:s0], [sflag:$0x7] =	stream.linear.gather [hbm4b:s19+s3], $0x2710, $0x38;
	[tilespmem:$0x1FF80] =	vst v63  }
0x2f: {  	_ =	swait.ge [sflag:s1], $0x2710  }
0x30: {  	[sflag:s1] =	ssyncset.done $0x0  }
0x31: {  	[sflag:s1] =	ssyncadd.s32 $0xFFFFD8F0  }
0x32: {  	[tilespmem:s6], [sflag:$0x1] =	stream.indirect.gather [hbm4b:s4+s5], $0x80, s3, s5, $0xb8;
	[tilespmem:$0x1FF80] =	vst v63  }
0x33: {  	s18 =	simm.s32 $0x3C0;
	s17 =	simm.s32 $0x70  }
0x34: {  	[tilespmem:s7], [sflag:$0x2] =	stream.indirect.gather [hbm4b:s4+s5], $0x80, s5, s5, $0xb8;
	[tilespmem:$0x1FF80] =	vst v63  }
.LBB2_2:
0x35: {  	p1 =	sne.s32 s18, $0x9FC0;
	[tilespmem:s17+$0x9F00] =	vst v0  }
0x36: {  	[tilespmem:s17+$0x9E90] =	vst v0  }
0x37: {  	[tilespmem:s17+$0x9EA0] =	vst v0  }
.Ltmp0:
0x38: {  	[tilespmem:s17+$0x9EB0] =	vst v0;
	(pc) =	sbr.rel @p1 .LBB2_2-.Ltmp0, $4  }
0x39: {  	[tilespmem:s17+$0x9EC0] =	vst v0  }
0x3a: {  	[tilespmem:s17+$0x9ED0] =	vst v0  }
0x3b: {  	[tilespmem:s17+$0x9EE0] =	vst v0  }
0x3c: {  	[tilespmem:s17+$0x9EF0] =	vst v0;
	s17 =	sshra.s32 s18, $0x2;
	s18 =	sadd.s32 $0x200, s18  }
0x3d: {  	[tilespmem:s17+$0x9F00] =	vst v0  }
0x3e: {  	[tilespmem:s17+$0x9E90] =	vst v0  }
0x3f: {  	[tilespmem:s17+$0x9EA0] =	vst v0  }
0x40: {  	[tilespmem:s17+$0x9EB0] =	vst v0  }
0x41: {  	[tilespmem:s17+$0x9EC0] =	vst v0  }
0x42: {  	[tilespmem:s17+$0x9ED0] =	vst v0  }
0x43: {  	[tilespmem:s17+$0x9EE0] =	vst v0  }
0x44: {  	[tilespmem:s17+$0x9EF0] =	vst v0  }
0x45: {  	[spmem:s8] =	stream.linear.scatter [tilespmem:s9], [sflag:$0x7], $0x2800, $0x38;
	[tilespmem:$0x1FF80] =	vst v63  }
0x46: {  	_ =	swait.ge [sflag:s1], $0x2800  }
0x47: {  	[sflag:s1] =	ssyncset.done $0x0  }
0x48: {  	s18 =	rddreg [dreg:$0x6];
	[sflag:s1] =	ssyncadd.s32 $0xFFFFD800  }
0x49: {  	[spmem:s18] =	stream.linear.scatter [tilespmem:s9], [sflag:$0x7], $0x2800, $0x38;
	[tilespmem:$0x1FF80] =	vst v63  }
0x4a: {  	_ =	swait.ge [sflag:s1], $0x2800  }
0x4b: {  	[sflag:s1] =	ssyncset.done $0x0  }
0x4c: {  	s19 =	rddreg [dreg:$0xf];
	[sflag:s1] =	ssyncadd.s32 $0xFFFFD800  }
0x4d: {  	[spmem:s19] =	stream.linear.scatter [tilespmem:s9], [sflag:$0x7], $0x2800, $0x38;
	[tilespmem:$0x1FF80] =	vst v63  }
0x4e: {  	_ =	swait.ge [sflag:s1], $0x2800  }
0x4f: {  	[sflag:s1] =	ssyncset.done $0x0  }
0x50: {  	[sflag:s1] =	ssyncadd.s32 $0xFFFFD800  }
0x51: {  	[spmem:s26] =	stream.linear.scatter [tilespmem:s9], [sflag:$0x7], $0x2800, $0x38;
	[tilespmem:$0x1FF80] =	vst v63  }
0x52: {  	_ =	swait.ge [sflag:s1], $0x2800  }
0x53: {  	[sflag:s1] =	ssyncset.done $0x0  }
0x54: {  	[sflag:s1] =	ssyncadd.s32 $0xFFFFD800  }
0x55: {  	[spmem:s28] =	stream.linear.scatter [tilespmem:s9], [sflag:$0x7], $0x2800, $0x38;
	[tilespmem:$0x1FF80] =	vst v63  }
0x56: {  	_ =	swait.ge [sflag:s1], $0x2800  }
0x57: {  	[sflag:s1] =	ssyncset.done $0x0  }
0x58: {  	[sflag:s1] =	ssyncadd.s32 $0xFFFFD800  }
0x59: {  	[spmem:s29] =	stream.linear.scatter [tilespmem:s9], [sflag:$0x7], $0x2800, $0x38;
	[tilespmem:$0x1FF80] =	vst v63  }
0x5a: {  	_ =	swait.ge [sflag:s1], $0x2800  }
0x5b: {  	[sflag:s1] =	ssyncset.done $0x0  }
0x5c: {  	[sflag:s1] =	ssyncadd.s32 $0xFFFFD800  }
0x5d: {  	[spmem:s30] =	stream.linear.scatter [tilespmem:s9], [sflag:$0x7], $0x2800, $0x38;
	[tilespmem:$0x1FF80] =	vst v63  }
0x5e: {  	_ =	swait.ge [sflag:s1], $0x2800  }
0x5f: {  	[sflag:s1] =	ssyncset.done $0x0  }
0x60: {  	s17 =	simm.s32 @!p0 $0x9F00;
	[sflag:s1] =	ssyncadd.s32 $0xFFFFD800  }
0x61: {  	[spmem:s31] =	stream.linear.scatter @!p0 [tilespmem:s17], [sflag:$0x7], $0x2800, $0x38;
	[tilespmem:$0x1FF80] =	vst v63  }
0x62: {  	s17 =	simm.s32 @!p0 $0x7  }
0x63: {  	_ =	swait.ge @!p0 [sflag:s17], $0x2800  }
0x64: {  	[sflag:s17] =	ssyncset.done @!p0 $0x0  }
0x65: {  	[sflag:s17] =	ssyncadd.s32 @!p0 $0xFFFFD800  }
0x66: {  	[bflag:$0x0] =	sbarrier.arrive $0xFFFF  }
0x67: {  	_ =	swait.ge [sflag:s10], $0x2800  }
0x68: {  	[sflag:s10] =	ssyncset.done $0x0  }
0x69: {  	[sflag:s10] =	ssyncadd.s32 $0xFFFFD800  }
0x6a: {  	[spmem:s2] =	stream.indirect.scatter.add.f32 [tilespmem:s6], [sflag:$0x4], $0x80, s0, s5, $0xb8;
	[tilespmem:$0x1FF80] =	vst v63  }
0x6b: {  	s18 =	simm.s32 $0xA0  }
0x6c: {  	[tilespmem:s9], [sflag:$0x3] =	stream.indirect.gather [hbm4b:s4+s5], $0x80, s18, s5, $0xb8;
	[tilespmem:$0x1FF80] =	vst v63  }
0x6d: {  	_ =	swait.ge [sflag:s11], $0x2800  }
0x6e: {  	[sflag:s11] =	ssyncset.done $0x0  }
0x6f: {  	s19 =	simm.s32 $0x27D0;
	[sflag:s11] =	ssyncadd.s32 $0xFFFFD800  }
0x70: {  	[spmem:s2] =	stream.indirect.scatter.add.f32 [tilespmem:s7], [sflag:$0x5], $0x80, s19, s5, $0xb8;
	[tilespmem:$0x1FF80] =	vst v63  }
0x71: {  	_ =	swait.ge [sflag:s12], $0x2800  }
0x72: {  	[sflag:s12] =	ssyncset.done $0x0  }
0x73: {  	s18 =	simm.s32 $0xF0;
	[sflag:s12] =	ssyncadd.s32 $0xFFFFD800  }
0x74: {  	[tilespmem:s6], [sflag:$0x1] =	stream.indirect.gather [hbm4b:s4+s5], $0x80, s18, s5, $0xb8;
	[tilespmem:$0x1FF80] =	vst v63  }
0x75: {  	_ =	swait.ge [sflag:s13], $0x2800  }
0x76: {  	[sflag:s13] =	ssyncset.done $0x0  }
0x77: {  	s19 =	simm.s32 $0x2820;
	[sflag:s13] =	ssyncadd.s32 $0xFFFFD800  }
0x78: {  	[spmem:s2] =	stream.indirect.scatter.add.f32 [tilespmem:s9], [sflag:$0x6], $0x80, s19, s5, $0xb8;
	[tilespmem:$0x1FF80] =	vst v63  }
0x79: {  	_ =	swait.ge [sflag:s14], $0x2800  }
0x7a: {  	[sflag:s14] =	ssyncset.done $0x0  }
0x7b: {  	s18 =	simm.s32 $0x140;
	[sflag:s14] =	ssyncadd.s32 $0xFFFFD800  }
0x7c: {  	[tilespmem:s7], [sflag:$0x2] =	stream.indirect.gather [hbm4b:s4+s5], $0x80, s18, s5, $0xb8;
	[tilespmem:$0x1FF80] =	vst v63  }
0x7d: {  	_ =	swait.ge [sflag:s10], $0x2800  }
0x7e: {  	[sflag:s10] =	ssyncset.done $0x0  }
0x7f: {  	s19 =	simm.s32 $0x2870;
	[sflag:s10] =	ssyncadd.s32 $0xFFFFD800  }
0x80: {  	[spmem:s2] =	stream.indirect.scatter.add.f32 [tilespmem:s6], [sflag:$0x4], $0x80, s19, s5, $0xb8;
	[tilespmem:$0x1FF80] =	vst v63  }
0x81: {  	_ =	swait.ge [sflag:s15], $0x2800  }
0x82: {  	[sflag:s15] =	ssyncset.done $0x0  }
0x83: {  	s17 =	simm.s32 $0x3C0;
	s18 =	simm.s32 $0x190;
	[sflag:s15] =	ssyncadd.s32 $0xFFFFD800  }
.LBB2_4:
0x84: {  	[tilespmem:s9], [sflag:$0x3] =	stream.indirect.gather [hbm4b:s4+s5], $0x80, s18, s5, $0xb8;
	[tilespmem:$0x1FF80] =	vst v63  }
0x85: {  	s18 =	smov.u32 s17  }
0x86: {  	p1 =	sne.s32 s17, $0x9240;
	s17 =	sadd.s32 $0x3C0, s17;
	_ =	swait.ge [sflag:s11], $0x2800  }
0x87: {  	s18 =	sshra.s32 s18, $0x2;
	[sflag:s11] =	ssyncset.done $0x0  }
0x88: {  	s19 =	sadd.s32 $0x27D0, s18;
	[sflag:s11] =	ssyncadd.s32 $0xFFFFD800  }
0x89: {  	[spmem:s2] =	stream.indirect.scatter.add.f32 [tilespmem:s7], [sflag:$0x5], $0x80, s19, s5, $0xb8;
	[tilespmem:$0x1FF80] =	vst v63  }
0x8a: {  	_ =	swait.ge [sflag:s12], $0x2800  }
0x8b: {  	[sflag:s12] =	ssyncset.done $0x0  }
0x8c: {  	s19 =	sadd.s32 $0xF0, s18;
	[sflag:s12] =	ssyncadd.s32 $0xFFFFD800  }
0x8d: {  	[tilespmem:s6], [sflag:$0x1] =	stream.indirect.gather [hbm4b:s4+s5], $0x80, s19, s5, $0xb8;
	[tilespmem:$0x1FF80] =	vst v63  }
0x8e: {  	_ =	swait.ge [sflag:s13], $0x2800  }
0x8f: {  	[sflag:s13] =	ssyncset.done $0x0  }
0x90: {  	s19 =	sadd.s32 $0x2820, s18;
	[sflag:s13] =	ssyncadd.s32 $0xFFFFD800  }
0x91: {  	[spmem:s2] =	stream.indirect.scatter.add.f32 [tilespmem:s9], [sflag:$0x6], $0x80, s19, s5, $0xb8;
	[tilespmem:$0x1FF80] =	vst v63  }
0x92: {  	_ =	swait.ge [sflag:s14], $0x2800  }
0x93: {  	[sflag:s14] =	ssyncset.done $0x0  }
0x94: {  	s19 =	sadd.s32 $0x140, s18;
	[sflag:s14] =	ssyncadd.s32 $0xFFFFD800  }
0x95: {  	[tilespmem:s7], [sflag:$0x2] =	stream.indirect.gather [hbm4b:s4+s5], $0x80, s19, s5, $0xb8;
	[tilespmem:$0x1FF80] =	vst v63  }
0x96: {  	_ =	swait.ge [sflag:s10], $0x2800  }
0x97: {  	[sflag:s10] =	ssyncset.done $0x0  }
.Ltmp1:
0x98: {  	s19 =	sadd.s32 $0x2870, s18;
	[sflag:s10] =	ssyncadd.s32 $0xFFFFD800;
	(pc) =	sbr.rel @p1 .LBB2_4-.Ltmp1, $4  }
0x99: {  	[spmem:s2] =	stream.indirect.scatter.add.f32 [tilespmem:s6], [sflag:$0x4], $0x80, s19, s5, $0xb8;
	[tilespmem:$0x1FF80] =	vst v63  }
0x9a: {  	_ =	swait.ge [sflag:s15], $0x2800  }
0x9b: {  	[sflag:s15] =	ssyncset.done $0x0  }
0x9c: {  	s18 =	sadd.s32 $0x190, s18;
	[sflag:s15] =	ssyncadd.s32 $0xFFFFD800  }
0x9d: {  	[tilespmem:s9], [sflag:$0x3] =	stream.indirect.gather [hbm4b:s4+s5], $0x80, s18, s5, $0xb8;
	[tilespmem:$0x1FF80] =	vst v63  }
0x9e: {  	_ =	swait.ge [sflag:s11], $0x2800  }
0x9f: {  	[sflag:s11] =	ssyncset.done $0x0  }
0xa0: {  	s17 =	simm.s32 $0x4D50;
	[sflag:s11] =	ssyncadd.s32 $0xFFFFD800  }
0xa1: {  	[spmem:s2] =	stream.indirect.scatter.add.f32 [tilespmem:s7], [sflag:$0x5], $0x80, s17, s5, $0xb8;
	[tilespmem:$0x1FF80] =	vst v63  }
0xa2: {  	_ =	swait.ge [sflag:s12], $0x2800  }
0xa3: {  	[sflag:s12] =	ssyncset.done $0x0  }
0xa4: {  	s19 =	simm.s32 $0x2670;
	[sflag:s12] =	ssyncadd.s32 $0xFFFFD800  }
0xa5: {  	[tilespmem:s6], [sflag:$0x1] =	stream.indirect.gather [hbm4b:s4+s5], $0x80, s19, s5, $0xb8;
	[tilespmem:$0x1FF80] =	vst v63  }
0xa6: {  	_ =	swait.ge [sflag:s13], $0x2800  }
0xa7: {  	[sflag:s13] =	ssyncset.done $0x0  }
0xa8: {  	s18 =	simm.s32 $0x4DA0;
	[sflag:s13] =	ssyncadd.s32 $0xFFFFD800  }
0xa9: {  	[spmem:s2] =	stream.indirect.scatter.add.f32 [tilespmem:s9], [sflag:$0x6], $0x80, s18, s5, $0xb8;
	[tilespmem:$0x1FF80] =	vst v63  }
0xaa: {  	_ =	swait.ge [sflag:s14], $0x2800  }
0xab: {  	[sflag:s14] =	ssyncset.done $0x0  }
0xac: {  	s19 =	simm.s32 $0x26C0;
	[sflag:s14] =	ssyncadd.s32 $0xFFFFD800  }
0xad: {  	[tilespmem:s7], [sflag:$0x2] =	stream.indirect.gather [hbm4b:s4+s5], $0x80, s19, s5, $0xb8;
	[tilespmem:$0x1FF80] =	vst v63  }
0xae: {  	_ =	swait.ge [sflag:s10], $0x2800  }
0xaf: {  	[sflag:s10] =	ssyncset.done $0x0  }
0xb0: {  	s18 =	simm.s32 $0x4DF0;
	[sflag:s10] =	ssyncadd.s32 $0xFFFFD800  }
0xb1: {  	[spmem:s2] =	stream.indirect.scatter.add.f32 [tilespmem:s6], [sflag:$0x4], $0x80, s18, s5, $0xb8;
	[tilespmem:$0x1FF80] =	vst v63  }
0xb2: {  	_ =	swait.ge [sflag:s11], $0x2800  }
0xb3: {  	[sflag:s11] =	ssyncset.done $0x0  }
0xb4: {  	s19 =	simm.s32 $0x4E40;
	[sflag:s11] =	ssyncadd.s32 $0xFFFFD800  }
0xb5: {  	[spmem:s2] =	stream.indirect.scatter.add.f32 [tilespmem:s7], [sflag:$0x5], $0x80, s19, s5, $0xb8;
	[tilespmem:$0x1FF80] =	vst v63  }
0xb6: {  	_ =	swait.ge [sflag:s15], $0x2800  }
0xb7: {  	[sflag:s15] =	ssyncset.done $0x0  }
0xb8: {  	[sflag:s15] =	ssyncadd.s32 $0xFFFFD800  }
0xb9: {  	_ =	swait.ge [sflag:s12], $0x2800  }
0xba: {  	[sflag:s12] =	ssyncset.done $0x0  }
0xbb: {  	[sflag:s12] =	ssyncadd.s32 $0xFFFFD800  }
0xbc: {  	_ =	swait.ge [sflag:s14], $0x2800  }
0xbd: {  	[sflag:s14] =	ssyncset.done $0x0  }
0xbe: {  	s18 =	stileid.u32;
	[sflag:s14] =	ssyncadd.s32 $0xFFFFD800  }
0xbf: {  	s17 =	sshll.u32 s18, $0x6;
	[bflag:$0x0] =	sbarrier.arrive $0xFFFF  }
0xc0: {  	s18 =	sshrl.u32 s8, $0x3;
	s17 =	sor.u32 $0x1C07, s17;
	s19 =	rddreg [dreg:$0x7]  }
0xc1: {  	[hbm:s19], [sflag:s17] =	dma.local [spmem:s18], $0x500  }
0xc2: {  	_ =	swait.ge [sflag:s1], $0x500  }
0xc3: {  	[sflag:s1] =	ssyncset.done $0x0;
	s18 =	rddreg [dreg:$0x8]  }
0xc4: {  	s19 =	rddreg [dreg:$0x10];
	[sflag:s1] =	ssyncadd.s32 $0xFFFFFB00  }
0xc5: {  	[hbm:s18], [sflag:s17] =	dma.local [spmem:s19], $0x500  }
0xc6: {  	_ =	swait.ge [sflag:s1], $0x500  }
0xc7: {  	[sflag:s1] =	ssyncset.done $0x0  }
0xc8: {  	s19 =	rddreg [dreg:$0x9];
	[sflag:s1] =	ssyncadd.s32 $0xFFFFFB00  }
0xc9: {  	[hbm:s19], [sflag:s17] =	dma.local [spmem:s20], $0x500  }
0xca: {  	_ =	swait.ge [sflag:s1], $0x500  }
0xcb: {  	[sflag:s1] =	ssyncset.done $0x0  }
0xcc: {  	s19 =	rddreg [dreg:$0xa];
	[sflag:s1] =	ssyncadd.s32 $0xFFFFFB00  }
0xcd: {  	[hbm:s19], [sflag:s17] =	dma.local [spmem:s21], $0x500  }
0xce: {  	_ =	swait.ge [sflag:s1], $0x500  }
0xcf: {  	[sflag:s1] =	ssyncset.done $0x0  }
0xd0: {  	s19 =	rddreg [dreg:$0xb];
	[sflag:s1] =	ssyncadd.s32 $0xFFFFFB00  }
0xd1: {  	[hbm:s19], [sflag:s17] =	dma.local [spmem:s22], $0x500  }
0xd2: {  	_ =	swait.ge [sflag:s1], $0x500  }
0xd3: {  	[sflag:s1] =	ssyncset.done $0x0  }
0xd4: {  	s19 =	rddreg [dreg:$0xc];
	[sflag:s1] =	ssyncadd.s32 $0xFFFFFB00  }
0xd5: {  	[hbm:s19], [sflag:s17] =	dma.local [spmem:s23], $0x500  }
0xd6: {  	_ =	swait.ge [sflag:s1], $0x500  }
0xd7: {  	[sflag:s1] =	ssyncset.done $0x0  }
0xd8: {  	s19 =	rddreg [dreg:$0xd];
	[sflag:s1] =	ssyncadd.s32 $0xFFFFFB00  }
0xd9: {  	[hbm:s19], [sflag:s17] =	dma.local [spmem:s24], $0x500  }
0xda: {  	_ =	swait.ge [sflag:s1], $0x500  }
0xdb: {  	[sflag:s1] =	ssyncset.done $0x0  }
0xdc: {  	s18 =	rddreg [dreg:$0xe];
	[sflag:s1] =	ssyncadd.s32 $0xFFFFFB00  }
0xdd: {  	[hbm:s18], [sflag:s17] =	dma.local @!p0 [spmem:s25], $0x500  }
0xde: {  	s17 =	simm.s32 @!p0 $0x7  }
0xdf: {  	_ =	swait.ge @!p0 [sflag:s17], $0x500  }
0xe0: {  	s16 =	sadd.s32 $0x1, s16;
	s19 =	rddreg [dreg:$0x5]  }
0xe1: {  	p1 =	sne.s32 s16, s19  }
.Ltmp2:
0xe2: {  	_ = 	snop;
	(pc) =	sbr.rel @p1 .LBB2_1-.Ltmp2, $3  }
0xe3: {  	_ =	sdelay $0x1  }
0xe4: {  	[sflag:s17] =	ssyncset.done @!p0 $0x0  }
0xe5: {  	[sflag:s17] =	ssyncadd.s32 @!p0 $0xFFFFFB00  }
0xe6: {  	_ =	sfence.sel $0x180000  }
0xe7: {  	[bflag:$0x0] =	sbarrier.arrive $0xFFFF  }
0xe8: {  	_ =	strace $0x9000004D  }
0xe9: {  	s0 =	stileid.u32;
	[bflag:$0x2] =	sbarrier.arrive $0xFFFF  }
0xea: {  	p0 =	sne.s32 s0, $0x0;
	s0 =	rddreg [dreg:$0x2]  }
0xeb: {  	s0 =	sadd.s32 @!p0 $0x100000, s0  }
0xec: {  	[sflag:s0] =	ssyncadd.tile.s32 @!p0 $0x1;
	_ =	shalt  }
.Lfunc_end2:
_tile_overlayer_lowered:
.L_overlay_start_2:
0xed: {  	(tag) =	ssettag $0x2  }
0xee: {  	s0 =	rddreg [dreg:$0x0];
	s2 =	stileid.u32  }
0xef: {  	s1 =	rddreg [dreg:$0x1];
	p0 =	sne.s32 s2, $0x0  }
0xf0: {  	s3 =	rddreg [dreg:$0x2];
	[bflag:$0x3] =	sbarrier.arrive $0xFFFF;
	s2 =	simm.s32 @!p0 $0x1C07  }
0xf1: {  	[timem:s3], [sflag:s2] =	dma.local @!p0 [hbm:s0], s1  }
0xf2: {  	s0 =	simm.s32 @!p0 $0x7  }
0xf3: {  	_ =	swait.ge @!p0 [sflag:s0], s1  }
0xf4: {  	s1 =	ssub.s32 @!p0 $0x0, s1;
	[sflag:s0] =	ssyncset.done @!p0 $0x0  }
0xf5: {  	[sflag:s0] =	ssyncadd.s32 @!p0 s1  }
0xf6: {  	[bflag:$0x3] =	sbarrier.arrive $0xFFFF  }
0xf7: {  	_ =	shalt  }

// kernel: kernel.8.cloned.1.call-start
scs
__scs_entry_jumppad:
0x0: {  	(pc) =	sbr.rel $0x88, $3  }
0x1: {  	(tag) =	ssettag $0x0;
	lr =	simm.s32 $0x1  }
0x2: {  	[smem:$0x3F98] =	sst lr;
	_ =	strace $0xD0000000  }
0x3: {  	_ = 	snop  }
0x4: {  	_ = 	snop  }
0x5: {  	_ = 	snop  }
0x6: {  	_ = 	snop  }
0x7: {  	_ = 	snop  }
__scs_overlays_trampoline_lowered:
0x8: {  	[smem:$0x3FA7] =	sst s0  }
0x9: {  	[smem:$0x3FA8] =	sst s1  }
0xa: {  	[smem:$0x3FA9] =	sst s2  }
0xb: {  	[smem:$0x3FAA] =	sst s3  }
0xc: {  	[smem:$0x3FAB] =	sst s4  }
0xd: {  	[smem:$0x3FAC] =	sst s5  }
0xe: {  	[smem:$0x3FAD] =	sst s6  }
0xf: {  	[smem:$0x3FAE] =	sst s7  }
0x10: {  	[smem:$0x3FAF] =	sst s8  }
0x11: {  	[smem:$0x3FB0] =	sst s9;
	s0 =	simm.s32 @!p0 $0x0  }
0x12: {  	s1 =	sld [smem:$0x3F96];
	s0 =	simm.s32 @p0 $0x1  }
0x13: {  	[smem:$0x3FB1] =	sst s0;
	s0 =	simm.s32 @!p1 $0x0  }
0x14: {  	s2 =	sld [smem:$0x3F95];
	s0 =	simm.s32 @p1 $0x1  }
0x15: {  	[smem:$0x3FB2] =	sst s0;
	s0 =	simm.s32 @!p2 $0x0  }
0x16: {  	s3 =	sld [smem:$0x3FDB];
	s0 =	simm.s32 @p2 $0x1  }
0x17: {  	s4 =	simm.s32 $0x1BF5;
	[smem:$0x3FB4] =	sst s0  }
0x18: {  	s0 =	sld [smem:$0x3F97];
	_ =	swait.ge [sflag:s4], $0x0  }
0x19: {  	s7 =	sld [smem:$0x3F98]  }
0x1a: {  	s8 =	sadd.s32 $0xFFFFE003, lr  }
0x1b: {  	s9 =	sadd.s32 $0xFFFFFEF7, lr;
	s5 =	simm.s32 $0xFFFFFFFF;
	p2 =	slt.u32 s8, $0xFFFFF086  }
0x1c: {  	p1 =	slt.u32 s9, $0xF7A;
	s5 =	simm.s32 @!p2 $0x0  }
0x1d: {  	s5 =	simm.s32 @p1 $0x1;
	p0 =	seq.s32 s7, s2  }
0x1e: {  	s7 =	smul.u32 @!p0 $0xF7A, s2;
	p2 =	seq.s32 @!p0 s5, $0x0  }
0x1f: {  	s9 =	smul.u32 $0xF7A, s1;
	s8 =	simm.s32 @!p0 $0x1BF5;
	p2 =	por !p2, p0  }
0x20: {  	[sflag:s8] =	ssyncset.s32 @!p0 $0xFFFFF086;
	s6 =	sadd.s32 @!p0 s3, s7;
	s7 =	simm.s32 @!p0 $0x108  }
0x21: {  	s3 =	sadd.s32 s3, s9;
	s6 =	sadd.s32 @!p0 $0x88, s6;
	s7 =	simm.s32 @p2 $0x1082  }
0x22: {  	[simem:s7], [sflag:s8] =	dma.local @!p0 [hbm:s6], $0xF7A  }
0x23: {  	s9 =	sor.u32 $0xD0000000, s2;
	s6 =	simm.s32 $0x108;
	_ =	swait.ge @!p0 [sflag:s8], $0x0  }
0x24: {  	s3 =	sadd.s32 $0x88, s3;
	s6 =	simm.s32 @!p1 $0x1082;
	[sflag:s4] =	ssyncset.s32 $0xFFFFF086  }
0x25: {  	[simem:s6], [sflag:s4] =	dma.local [hbm:s3], $0xF7A  }
0x26: {  	[smem:$0x3F98] =	sst s1;
	(tag) =	ssettag s2;
	_ =	strace s9  }
0x27: {  	s1 =	sld [smem:$0x3FA8]  }
0x28: {  	s2 =	sld [smem:$0x3FA9]  }
0x29: {  	s4 =	sld [smem:$0x3FAB]  }
0x2a: {  	p0 =	seq.s32 s5, $0x0;
	s5 =	sld [smem:$0x3FAC]  }
0x2b: {  	s6 =	sld [smem:$0x3FAD]  }
0x2c: {  	s7 =	sld [smem:$0x3FAE]  }
0x2d: {  	s3 =	simm.s32 $0x108;
	s8 =	sld [smem:$0x3FAF]  }
0x2e: {  	s3 =	simm.s32 @!p0 $0x1082;
	s9 =	sld [smem:$0x3FB0]  }
0x2f: {  	lr =	sadd.s32 s0, s3;
	s0 =	sld [smem:$0x3FA7]  }
0x30: {  	s3 =	sld [smem:$0x3FAA]  }
0x31: {  	[smem:$0x3FB3] =	sst s10  }
0x32: {  	s10 =	sld [smem:$0x3FB1];
	_ =	sdelay $0x3  }
0x33: {  	p0 =	seq.s32 s10, $0x1;
	s10 =	sld [smem:$0x3FB3];
	_ =	sdelay $0x3  }
0x34: {  	[smem:$0x3FB3] =	sst s10  }
0x35: {  	s10 =	sld [smem:$0x3FB2];
	_ =	sdelay $0x3  }
0x36: {  	p1 =	seq.s32 s10, $0x1;
	s10 =	sld [smem:$0x3FB3];
	_ =	sdelay $0x3  }
0x37: {  	[smem:$0x3FB3] =	sst s10  }
0x38: {  	s10 =	sld [smem:$0x3FB4]  }
0x39: {  	_ = 	snop;
	(pc) =	sbr.ind lr, $3  }
0x3a: {  	_ = 	snop  }
0x3b: {  	_ = 	snop  }
0x3c: {  	p2 =	seq.s32 s10, $0x1;
	s10 =	sld [smem:$0x3FB3]  }
0x3d: {  	_ =	shalt  }
0x3e: {  	_ =	shalt  }
0x3f: {  	_ =	shalt  }
0x40: {  	_ =	shalt  }
0x41: {  	_ =	shalt  }
0x42: {  	_ =	shalt  }
0x43: {  	_ =	shalt  }
0x44: {  	_ =	shalt  }
0x45: {  	_ =	shalt  }
0x46: {  	_ =	shalt  }
0x47: {  	_ =	shalt  }
0x48: {  	_ =	shalt  }
0x49: {  	_ =	shalt  }
0x4a: {  	_ =	shalt  }
0x4b: {  	_ =	shalt  }
0x4c: {  	_ =	shalt  }
0x4d: {  	_ =	shalt  }
0x4e: {  	_ =	shalt  }
0x4f: {  	_ =	shalt  }
0x50: {  	_ =	shalt  }
0x51: {  	_ =	shalt  }
0x52: {  	_ =	shalt  }
0x53: {  	_ =	shalt  }
0x54: {  	_ =	shalt  }
0x55: {  	_ =	shalt  }
0x56: {  	_ =	shalt  }
0x57: {  	_ =	shalt  }
0x58: {  	_ =	shalt  }
0x59: {  	_ =	shalt  }
0x5a: {  	_ =	shalt  }
0x5b: {  	_ =	shalt  }
0x5c: {  	_ =	shalt  }
0x5d: {  	_ =	shalt  }
0x5e: {  	_ =	shalt  }
0x5f: {  	_ =	shalt  }
0x60: {  	_ =	shalt  }
0x61: {  	_ =	shalt  }
0x62: {  	_ =	shalt  }
0x63: {  	_ =	shalt  }
0x64: {  	_ =	shalt  }
0x65: {  	_ =	shalt  }
0x66: {  	_ =	shalt  }
0x67: {  	_ =	shalt  }
0x68: {  	_ =	shalt  }
0x69: {  	_ =	shalt  }
0x6a: {  	_ =	shalt  }
0x6b: {  	_ =	shalt  }
0x6c: {  	_ =	shalt  }
0x6d: {  	_ =	shalt  }
0x6e: {  	_ =	shalt  }
0x6f: {  	_ =	shalt  }
0x70: {  	_ =	shalt  }
0x71: {  	_ =	shalt  }
0x72: {  	_ =	shalt  }
0x73: {  	_ =	shalt  }
0x74: {  	_ =	shalt  }
0x75: {  	_ =	shalt  }
0x76: {  	_ =	shalt  }
0x77: {  	_ =	shalt  }
0x78: {  	_ =	shalt  }
0x79: {  	_ =	shalt  }
0x7a: {  	_ =	shalt  }
0x7b: {  	_ =	shalt  }
0x7c: {  	_ =	shalt  }
0x7d: {  	_ =	shalt  }
0x7e: {  	_ =	shalt  }
0x7f: {  	_ =	shalt  }
0x80: {  	_ =	shalt  }
0x81: {  	_ =	shalt  }
0x82: {  	_ =	shalt  }
0x83: {  	_ =	shalt  }
0x84: {  	_ =	shalt  }
0x85: {  	_ =	shalt  }
0x86: {  	_ =	shalt  }
0x87: {  	_ =	shalt  }
.Lfunc_end0:
.L_simem_size_0:
called_computation_lowered:
.L_overlay_start_0:
0x88: {  	s2 =	sld [smem:$0x3FD9]  }
0x89: {  	s3 =	sld [smem:$0x3FFE];
	_ =	sdelay $0x1  }
0x8a: {  	s1 =	srdreg.scid  }
0x8b: {  	s0 =	sand.u32 $0x1, s1  }
0x8c: {  	s16 =	sshll.u32 s0, $0xA;
	s2 =	sadd.s32 s3, s2  }
0x8d: {  	s2 =	sadd.s32 s2, s16  }
0x8e: {  	[smem:$0x3FBF] =	sst s2  }
0x8f: {  	_ = 	snop  }
0x90: {  	(tm) =	ssettm $0x1  }
0x91: {  	s17 =	sld [smem:$0x3FFB];
	_ =	sdelay $0x3  }
0x92: {  	_ =	strace s17  }
0x93: {  	s2 =	sld [smem:$0x3FFC];
	_ =	sdelay $0x3  }
0x94: {  	_ =	strace s2  }
0x95: {  	s2 =	sld [smem:$0x3FFD];
	_ =	sdelay $0x3  }
0x96: {  	_ =	strace s2  }
0x97: {  	_ =	strace $0x8FFFFFFF  }
0x98: {  	s18 =	sld [smem:$0x3FDB];
	_ =	sdelay $0x1  }
0x99: {  	s19 =	simm.s32 $_scs_section_size  }
0x9a: {  	s4 =	simm.s32 $_size__tile_overlayer_lowered;
	s5 =	simm.s32 $_tile_overlayer_lowered  }
0x9b: {  	s22 =	simm.s32 $0x1BFF;
	s21 =	sshll.u32 s5, $0x1;
	s2 =	sadd.s32 s19, s18  }
0x9c: {  	s6 =	simm.s32 $0x0;
	s20 =	sshll.u32 s4, $0x1;
	s4 =	sadd.s32 s21, s2  }
0x9d: {  	[timem:s6], [sflag:s22] =	dma.local [hbm:s4], s20  }
0x9e: {  	_ =	swait.ge [sflag:s22], s20  }
0x9f: {  	s3 =	ssub.s32 $0x0, s20;
	[sflag:s22] =	ssyncset.done $0x0  }
0xa0: {  	[sflag:s22] =	ssyncadd.s32 s3;
	_ =	sdelay $0x1  }
0xa1: {  	s23 =	simm.s32 $0x1B8B  }
0xa2: {  	_ =	swait.ge [sflag:s23], $0x1  }
0xa3: {  	[sflag:s23] =	ssyncset.done $0x0  }
0xa4: {  	s25 =	simm.s32 $0x1B8E;
	s24 =	sld [smem:$0x3FFE];
	[sflag:s23] =	ssyncadd.s32 $0xFFFFFFFF  }
0xa5: {  	s26 =	simm.s32 $execute0_lowered;
	[smem:$0x3FD2] =	sst s25  }
0xa6: {  	s4 =	sshll.u32 s26, $0x1;
	_ =	strace $0x80000046;
	[dreg:$0x1] =	wrdreg $0xFFFFFFFF  }
0xa7: {  	s28 =	simm.s32 $_size_execute0_lowered;
	s2 =	sadd.s32 s2, s4;
	[dreg:$0x0] =	wrdreg $0x0  }
0xa8: {  	s4 =	sshll.u32 s28, $0x1;
	[dreg:$0x2] =	wrdreg s2  }
0xa9: {  	[dreg:$0x3] =	wrdreg s4  }
0xaa: {  	[dreg:$0x4] =	wrdreg $0xC0  }
0xab: {  	_ =	task [dreg:s6], $0x5FFFF  }
0xac: {  	[dreg:$0x1] =	wrdreg $0xFFFFFFFF  }
0xad: {  	[dreg:$0x0] =	wrdreg $0x60  }
0xae: {  	[dreg:$0x2] =	wrdreg s24  }
0xaf: {  	[dreg:$0x3] =	wrdreg $0x9  }
0xb0: {  	_ =	task.clear_ibuf [dreg:s6], $0x4FFFF;
	_ =	strace $0x90000046  }
0xb1: {  	s29 =	simm.s32 $0x9;
	_ =	strace $0x80000048  }
0xb2: {  	_ =	swait.ge [sflag:s29], $0x1  }
0xb3: {  	[sflag:s29] =	ssyncadd.s32 $0xFFFFFFFF  }
0xb4: {  	_ =	strace $0x90000048  }
0xb5: {  	_ =	sfence  }
0xb6: {  	s30 =	sld [smem:$0x0];
	_ =	sdelay $0x2  }
0xb7: {  	s31 =	sshll.u32 s1, $0xD;
	s1 =	sshrl.u32 s1, $0x2  }
0xb8: {  	s3 =	sand.u32 $0x4000, s31;
	s1 =	sadd.s32 s1, s30  }
0xb9: {  	s0 =	sor.u32 s3, s0;
	s1 =	sshll.u32 s1, $0x11  }
0xba: {  	s0 =	sor.u32 s1, s0  }
0xbb: {  	s0 =	sadd.s32 $0x8F2B, s0  }
0xbc: {  	[sflag:s0] =	ssyncadd.remote.s32 $0x1  }
0xbd: {  	_ =	sfence.sel $0xFFFF  }
0xbe: {  	[dreg:$0x0] =	wrdreg $0xFFFFFFFF;
	(pc) =	sbr.abs _section_cstart, $3  }
0xbf: {  	[dreg:$0x1] =	wrdreg $0xFFFFFFFF  }
0xc0: {  	_ =	task.clear_ibuf [dreg:s6], $0x2FFFF;
	_ =	strace $0x9FFFFFFF  }
0xc1: {  	(tm) =	ssettm $0x7FFFFFFF  }
tec
execute0_lowered:
.L_overlay_start_1:
0x0: {  	(tag) =	ssettag $0x1  }
0x1: {  	s1 =	srdreg.scid;
	s0 =	stileid.u32  }
0x2: {  	s3 =	rddreg [dreg:$0x0];
	s8 =	simm.s32 $0x80;
	s9 =	simm.s32 $0x400  }
0x3: {  	s4 =	sand.u32 $0x1, s1;
	s2 =	sshll.u32 s0, $0x1;
	s1 =	rddreg [dreg:$0x1]  }
0x4: {  	s6 =	sshrl.u32 s0, $0x2;
	s5 =	sor.u32 s4, s2;
	s2 =	simm.s32 $0x0  }
0x5: {  	s6 =	smul.u32 $0x13C00, s6;
	s4 =	ssub.s32 $0x2, s4;
	s7 =	sshll.u32 s5, $0x7  }
0x6: {  	[smem:$0x7FF] =	sst s2;
	s5 =	smul.u32 $0x4E2, s5;
	s7 =	sand.u32 $0x380, s7  }
0x7: {  	s31 =	sshrl.u32 s4, $0x1;
	_ =	strace $0x80000047;
	s6 =	sor.u32 s6, s7  }
0x8: {  	s5 =	sadd.s32 s5, s3;
	s7 =	ssub.s32 s4, s31;
	s6 =	sshrl.u32 s6, $0x3  }
0x9: {  	s6 =	sadd.s32 s6, s3;
	s3 =	sadd.s32 $0xC600, s5;
	s5 =	smax.u32 s7, $0x1  }
0xa: {  	v0 =	vimm.f32 $0.0e+00;
	v1 =	vimm.f32 $1.000000000e+00;
	s7 =	simm.s32 $0x2780;
	s4 =	sadd.s32 $0x16400, s6;
	s6 =	simm.s32 $0x1  }
.LBB2_1:
0xb: {  	s10 =	simm.s32 $0x40;
	s11 =	simm.s32 $0x0  }
.LBB2_2:
0xc: {  	p0 =	sne.s32 s10, $0x9C00;
	[tilespmem:s11+$0x2780] =	vst v0;
	s11 =	smov.u32 s10;
	s10 =	sadd.s32 $0x40, s10  }
.Ltmp0:
0xd: {  	(pc) =	sbr.rel @p0 .LBB2_2-.Ltmp0, $2  }
0xe: {  	_ =	sdelay $0x2  }
0xf: {  	s11 =	sshra.s32 s11, $0x2  }
0x10: {  	[tilespmem:s11+$0x2780] =	vst v0;
	s10 =	simm.s32 $0x0  }
0x11: {  	[tilespmem:s10], [sflag:$0x1] =	stream.linear.gather [hbm4b:s3+s10], $0x2710, $0x38;
	[tilespmem:$0x4F00] =	vst v63  }
0x12: {  	_ =	swait.ge [sflag:s6], $0x2710  }
0x13: {  	[sflag:s6] =	ssyncset.done $0x0  }
0x14: {  	s11 =	simm.s32 $0x0;
	s10 =	simm.s32 $0x40;
	[sflag:s6] =	ssyncadd.s32 $0xFFFFD8F0  }
.LBB2_4:
0x15: {  	p0 =	sne.s32 s10, $0x9C00;
	v2 =	vld [tilespmem:s11+$0x0];
	_ =	sdelay $0x3  }
.Ltmp1:
0x16: {  	(pc) =	sbr.rel @p0 .LBB2_4-.Ltmp1, $2  }
0x17: {  	_ =	sdelay $0x2  }
0x18: {  	s11 =	sshra.s32 s10, $0x2;
	s10 =	sadd.s32 $0x40, s10;
	[tilespmem:v2+s7+$0x0] =	vst.idx.add.f32.msk $0xffff, v1  }
0x19: {  	v2 =	vld [tilespmem:s11+$0x0];
	_ =	sdelay $0x5  }
0x1a: {  	s2 =	sadd.s32 $0x1, s2  }
0x1b: {  	p0 =	sne.s32 s2, s5  }
.Ltmp2:
0x1c: {  	[tilespmem:v2+s7+$0x0] =	vst.idx.add.f32.msk $0xffff, v1;
	(pc) =	sbr.rel @p0 .LBB2_1-.Ltmp2, $4  }
0x1d: {  	[hbm4b:s4+s8] =	stream.strided.scatter [tilespmem:s7], [sflag:$0x1], $0x2780, s9, s8, $0x38;
	[tilespmem:$0x4F00] =	vst v63  }
0x1e: {  	_ =	swait.ge [sflag:s6], $0x2780  }
0x1f: {  	[sflag:s6] =	ssyncset.done $0x0  }
0x20: {  	[sflag:s6] =	ssyncadd.s32 $0xFFFFD880  }
0x21: {  	_ =	sfence.sel $0x180000  }
0x22: {  	[bflag:$0x0] =	sbarrier.arrive $0xFFFF  }
0x23: {  	p0 =	sne.s32 s0, $0x0;
	_ =	strace $0x90000047  }
0x24: {  	s0 =	sadd.s32 @!p0 $0x100000, s1;
	[bflag:$0x2] =	sbarrier.arrive $0xFFFF  }
0x25: {  	[sflag:s0] =	ssyncadd.tile.s32 @!p0 $0x1;
	_ =	shalt  }
.Lfunc_end2:
_tile_overlayer_lowered:
.L_overlay_start_2:
0x26: {  	(tag) =	ssettag $0x2  }
0x27: {  	s0 =	rddreg [dreg:$0x0];
	s2 =	stileid.u32  }
0x28: {  	s1 =	rddreg [dreg:$0x1];
	p0 =	sne.s32 s2, $0x0  }
0x29: {  	s3 =	rddreg [dreg:$0x2];
	[bflag:$0x3] =	sbarrier.arrive $0xFFFF;
	s2 =	simm.s32 @!p0 $0x1C01  }
0x2a: {  	[timem:s3], [sflag:s2] =	dma.local @!p0 [hbm:s0], s1  }
0x2b: {  	s0 =	simm.s32 @!p0 $0x1  }
0x2c: {  	_ =	swait.ge @!p0 [sflag:s0], s1  }
0x2d: {  	s1 =	ssub.s32 @!p0 $0x0, s1;
	[sflag:s0] =	ssyncset.done @!p0 $0x0  }
0x2e: {  	[sflag:s0] =	ssyncadd.s32 @!p0 s1  }
0x2f: {  	[bflag:$0x3] =	sbarrier.arrive $0xFFFF  }
0x30: {  	_ =	shalt  }

</sc_bundles>
